<compile_context>
chip_gen: v7x
topology: tpu7x:2x2x1
jax: 0.10.2.dev20260603
libtpu: 0.0.44.dev20260713+nightly
codegen_flags: <defaults>
</compile_context>

<pallas_src>
import functools

import jax
import jax.numpy as jnp
from jax import lax
from jax.experimental import pallas as pl
from jax.experimental.pallas import tpu as pltpu
from jax.experimental.pallas import tpu_sc as plsc

N = 10000
E = 320000
P = 200000
D = 128
H = 128

NC = 2
NS = 16
NW = NC * NS
CH = 80
L = 16

NPAD = 10240
_ROWS_PER_TILE = NPAD // NS
_DEG_ROWS = NPAD // 128


def _make_agg(with_deg):
  nchunks = E // CH
  per_worker = nchunks // NW
  mesh = plsc.VectorSubcoreMesh(
      core_axis_name="c", subcore_axis_name="s", num_cores=NC, num_subcores=NS)

  out_type = [jax.ShapeDtypeStruct((NC, NPAD, H), jnp.float32)]
  scratch = [
      pltpu.VMEM((CH,), jnp.int32),
      pltpu.VMEM((CH,), jnp.int32),
      pltpu.VMEM((CH, H), jnp.float32),
      pltpu.VMEM_SHARED((NPAD, H), jnp.float32),
      pltpu.SemaphoreType.DMA,
  ]
  if with_deg:
    out_type.append(jax.ShapeDtypeStruct((NC, _DEG_ROWS, 128), jnp.float32))
    scratch += [
        pltpu.VMEM((_DEG_ROWS, 128), jnp.float32),
        pltpu.VMEM((_DEG_ROWS,), jnp.int32),
        pltpu.VMEM_SHARED((_DEG_ROWS, 128), jnp.float32),
    ]

  @functools.partial(
      pl.kernel, out_type=out_type, mesh=mesh, scratch_types=scratch,
      compiler_params=pltpu.CompilerParams(needs_layout_passes=False))
  def agg(table, src, dst, zeros, *refs):
    if with_deg:
      (acc_out, deg_out, src_v, dst_v, rows_v, acc_sh, sem,
       hist_v, iota_v, deg_sh) = refs
    else:
      acc_out, src_v, dst_v, rows_v, acc_sh, sem = refs
    c = lax.axis_index("c")
    s = lax.axis_index("s")
    w = c * NS + s
    r0 = s * _ROWS_PER_TILE
    pltpu.sync_copy(zeros.at[pl.ds(r0, _ROWS_PER_TILE)],
                    acc_sh.at[pl.ds(r0, _ROWS_PER_TILE)])
    if with_deg:
      pltpu.sync_copy(zeros.at[pl.ds(0, _DEG_ROWS)], hist_v)

      @pl.when(s < _DEG_ROWS // 8)
      def _():
        pltpu.sync_copy(zeros.at[pl.ds(s * 8, 8)], deg_sh.at[pl.ds(s * 8, 8)])

      for k in range(_DEG_ROWS // L):
        iota_v[pl.ds(k * L, L)] = lax.iota(jnp.int32, L) + (k * L)
    plsc.subcore_barrier()

    ones_l = jnp.full((L,), 1.0, jnp.float32)

    def body(i, carry):
      base = (w * per_worker + i) * CH
      pltpu.sync_copy(src.at[pl.ds(base, CH)], src_v)
      pltpu.sync_copy(dst.at[pl.ds(base, CH)], dst_v)
      pltpu.async_copy(table.at[src_v], rows_v, sem).wait()
      pltpu.sync_copy(rows_v, acc_sh.at[dst_v], add=True)
      if with_deg:
        for k in range(CH // L):
          idx = dst_v[pl.ds(k * L, L)]
          hi = lax.shift_right_logical(idx, 7)
          lo = jnp.bitwise_and(idx, 127)
          plsc.addupdate_scatter(hist_v, [hi, lo], ones_l)
      return carry

    lax.fori_loop(0, per_worker, body, 0)
    plsc.subcore_barrier()
    pltpu.sync_copy(acc_sh.at[pl.ds(r0, _ROWS_PER_TILE)],
                    acc_out.at[c, pl.ds(r0, _ROWS_PER_TILE)])
    if with_deg:
      pltpu.sync_copy(hist_v, deg_sh.at[iota_v], add=True)
      plsc.subcore_barrier()

      @pl.when(s < _DEG_ROWS // 8)
      def _():
        pltpu.sync_copy(deg_sh.at[pl.ds(s * 8, 8)],
                        deg_out.at[c, pl.ds(s * 8, 8)])

  return agg


_agg_deg = _make_agg(True)
_agg = _make_agg(False)


def _make_pair_gather():
  nchunks = P // CH
  mesh = plsc.VectorSubcoreMesh(
      core_axis_name="c", subcore_axis_name="s", num_cores=NC, num_subcores=NS)

  @functools.partial(
      pl.kernel,
      out_type=[
          jax.ShapeDtypeStruct((P, H), jnp.float32),
          jax.ShapeDtypeStruct((P, H), jnp.float32),
      ],
      mesh=mesh,
      scratch_types=[
          pltpu.VMEM((CH,), jnp.int32),
          pltpu.VMEM((CH, H), jnp.float32),
          pltpu.SemaphoreType.DMA,
      ],
  )
  def pair_gather(z, p0, p1, u, v, idx_v, rows_v, sem):
    c = lax.axis_index("c")
    s = lax.axis_index("s")
    w = c * NS + s
    n_w = (nchunks - w + NW - 1) // NW

    def body(i, carry):
      base = (w + i * NW) * CH
      pltpu.sync_copy(p0.at[pl.ds(base, CH)], idx_v)
      pltpu.async_copy(z.at[idx_v], rows_v, sem).wait()
      pltpu.sync_copy(rows_v, u.at[pl.ds(base, CH)])
      pltpu.sync_copy(p1.at[pl.ds(base, CH)], idx_v)
      pltpu.async_copy(z.at[idx_v], rows_v, sem).wait()
      pltpu.sync_copy(rows_v, v.at[pl.ds(base, CH)])
      return carry

    lax.fori_loop(0, n_w, body, 0)

  return pair_gather


_pair_gather = _make_pair_gather()

_BN = 2000
_BP = 2000


def _post1_body(acc_ref, deg_ref, x_ref, wl_ref, wr_ref, b_ref, z_ref):
  agg = acc_ref[0] + acc_ref[1]
  degc = jnp.maximum(deg_ref[0] + deg_ref[1], 1.0)
  zl = lax.dot_general(agg, wl_ref[...], (((1,), (1,)), ((), ())),
                       preferred_element_type=jnp.float32) / degc
  zr = lax.dot_general(x_ref[...], wr_ref[...], (((1,), (1,)), ((), ())),
                       preferred_element_type=jnp.float32)
  z_ref[...] = jnp.maximum(zl + zr + b_ref[...], 0.0)


def _post1(acc, deg, x, wl, wr, b):
  grid = (N // _BN,)
  return pl.pallas_call(
      _post1_body,
      grid=grid,
      in_specs=[
          pl.BlockSpec((NC, _BN, H), lambda i: (0, i, 0)),
          pl.BlockSpec((NC, _BN, 1), lambda i: (0, i, 0)),
          pl.BlockSpec((_BN, D), lambda i: (i, 0)),
          pl.BlockSpec((H, D), lambda i: (0, 0)),
          pl.BlockSpec((H, D), lambda i: (0, 0)),
          pl.BlockSpec((1, H), lambda i: (0, 0)),
      ],
      out_specs=pl.BlockSpec((_BN, H), lambda i: (i, 0)),
      out_shape=jax.ShapeDtypeStruct((N, H), jnp.float32),
      compiler_params=pltpu.CompilerParams(
          dimension_semantics=("parallel",)),
  )(acc, deg, x, wl, wr, b)


def _post2_body(acc_ref, deg_ref, z1_ref, wl_ref, wr_ref, b_ref, z_ref):
  agg = acc_ref[0] + acc_ref[1]
  degc = jnp.maximum(deg_ref[0] + deg_ref[1], 1.0)
  zl = lax.dot_general(agg, wl_ref[...], (((1,), (1,)), ((), ())),
                       preferred_element_type=jnp.float32) / degc
  zr = lax.dot_general(z1_ref[...], wr_ref[...], (((1,), (1,)), ((), ())),
                       preferred_element_type=jnp.float32)
  z_ref[...] = zl + zr + b_ref[...]


def _post2(acc, deg, z1, wl, wr, b):
  grid = (N // _BN,)
  return pl.pallas_call(
      _post2_body,
      grid=grid,
      in_specs=[
          pl.BlockSpec((NC, _BN, H), lambda i: (0, i, 0)),
          pl.BlockSpec((NC, _BN, 1), lambda i: (0, i, 0)),
          pl.BlockSpec((_BN, H), lambda i: (i, 0)),
          pl.BlockSpec((H, H), lambda i: (0, 0)),
          pl.BlockSpec((H, H), lambda i: (0, 0)),
          pl.BlockSpec((1, H), lambda i: (0, 0)),
      ],
      out_specs=pl.BlockSpec((_BN, H), lambda i: (i, 0)),
      out_shape=jax.ShapeDtypeStruct((N, H), jnp.float32),
      compiler_params=pltpu.CompilerParams(
          dimension_semantics=("parallel",)),
  )(acc, deg, z1, wl, wr, b)


def _decode_body(u_ref, v_ref, w1_ref, b1_ref, w2_ref, b2_ref, w3_ref, b3_ref,
                 o_ref):
  h = u_ref[...] * v_ref[...]
  h = jnp.maximum(
      lax.dot_general(h, w1_ref[...], (((1,), (1,)), ((), ())),
                      preferred_element_type=jnp.float32) + b1_ref[...], 0.0)
  h = jnp.maximum(
      lax.dot_general(h, w2_ref[...], (((1,), (1,)), ((), ())),
                      preferred_element_type=jnp.float32) + b2_ref[...], 0.0)
  o = lax.dot_general(h, w3_ref[...], (((1,), (1,)), ((), ())),
                      preferred_element_type=jnp.float32) + b3_ref[0, 0]
  o_ref[...] = o


def _decode(u, v, w1, b1, w2, b2, w3, b3):
  grid = (P // _BP,)
  return pl.pallas_call(
      _decode_body,
      grid=grid,
      in_specs=[
          pl.BlockSpec((_BP, H), lambda i: (i, 0)),
          pl.BlockSpec((_BP, H), lambda i: (i, 0)),
          pl.BlockSpec((H, H), lambda i: (0, 0)),
          pl.BlockSpec((1, H), lambda i: (0, 0)),
          pl.BlockSpec((H // 2, H), lambda i: (0, 0)),
          pl.BlockSpec((1, H // 2), lambda i: (0, 0)),
          pl.BlockSpec((8, H // 2), lambda i: (0, 0)),
          pl.BlockSpec((1, 1), lambda i: (0, 0)),
      ],
      out_specs=pl.BlockSpec((_BP, 8), lambda i: (i, 0)),
      out_shape=jax.ShapeDtypeStruct((P, 8), jnp.float32),
      compiler_params=pltpu.CompilerParams(
          dimension_semantics=("parallel",)),
  )(u, v, w1, b1, w2, b2, w3, b3)


def kernel(x, edge_index, edge_pairs, W1l, b1l, W1r, W2l, b2l, W2r,
           Wm1, bm1, Wm2, bm2, Wm3, bm3):
  src = edge_index[0]
  dst = edge_index[1]
  p0 = edge_pairs[:, 0]
  p1 = edge_pairs[:, 1]

  zeros = jnp.zeros((NPAD, H), jnp.float32)

  acc1, deg = _agg_deg(x, src, dst, zeros)
  deg = deg.reshape(NC, NPAD, 1)
  z1 = _post1(acc1, deg, x, W1l, W1r, b1l.reshape(1, H))

  (acc2,) = _agg(z1, src, dst, zeros)
  z2 = _post2(acc2, deg, z1, W2l, W2r, b2l.reshape(1, H))

  u, v = _pair_gather(z2, p0, p1)
  w3p = jnp.concatenate([Wm3, jnp.zeros((7, H // 2), jnp.float32)], axis=0)
  out = _decode(u, v, Wm1, bm1.reshape(1, H), Wm2, bm2.reshape(1, H // 2),
                w3p, bm3.reshape(1, 1))
  return out[:, 0]

# --- scband reference (transcript-rebuilt; emitter-appended) ---
"""Pipeline reference for scband-graph-sagelink-predictor-64888365907988 (READ-ONLY COPY).

The authoritative reference and input builder live on the scoring server;
editing this copy changes nothing except your own understanding.
"""

import jax, jax.numpy as jnp
import numpy as np

N = 10000
E = 320000
P = 200000
D = 128
H = 128


def setup_inputs(seed: int = 0) -> dict:
    key = jax.random.key(seed)
    ks = jax.random.split(key, 16)
    inp = {}
    inp["x"] = jax.random.normal(ks[0], (N, D), dtype=jnp.float32)
    inp["edge_index"] = jax.random.randint(ks[1], (2, E), 0, N, dtype=jnp.int32)
    inp["edge_pairs"] = jax.random.randint(ks[2], (P, 2), 0, N, dtype=jnp.int32)
    # SAGEConv params: out = lin_l(mean_neigh) + lin_r(x_root), bias on lin_l
    inp["W1l"] = jax.random.normal(ks[3], (H, D), dtype=jnp.float32) / np.sqrt(D)
    inp["b1l"] = jnp.zeros((H,), dtype=jnp.float32)
    inp["W1r"] = jax.random.normal(ks[4], (H, D), dtype=jnp.float32) / np.sqrt(D)
    inp["W2l"] = jax.random.normal(ks[5], (H, H), dtype=jnp.float32) / np.sqrt(H)
    inp["b2l"] = jnp.zeros((H,), dtype=jnp.float32)
    inp["W2r"] = jax.random.normal(ks[6], (H, H), dtype=jnp.float32) / np.sqrt(H)
    # MLP: Linear(H,H) ReLU Dropout Linear(H,H//2) ReLU Linear(H//2,1)
    inp["Wm1"] = jax.random.normal(ks[7], (H, H), dtype=jnp.float32) / np.sqrt(H)
    inp["bm1"] = jnp.zeros((H,), dtype=jnp.float32)
    inp["Wm2"] = jax.random.normal(ks[8], (H // 2, H), dtype=jnp.float32) / np.sqrt(H)
    inp["bm2"] = jnp.zeros((H // 2,), dtype=jnp.float32)
    inp["Wm3"] = jax.random.normal(ks[9], (1, H // 2), dtype=jnp.float32) / np.sqrt(H // 2)
    inp["bm3"] = jnp.zeros((1,), dtype=jnp.float32)
    return inp


def _sage_conv(x, edge_index, Wl, bl, Wr, num_nodes):
    src = edge_index[0]
    dst = edge_index[1]
    msg = x[src]  # gather source features per edge
    agg = jax.ops.segment_sum(msg, dst, num_segments=num_nodes)
    deg = jax.ops.segment_sum(jnp.ones((edge_index.shape[1],), dtype=x.dtype), dst, num_segments=num_nodes)
    agg = agg / jnp.clip(deg, 1.0, None)[:, None]  # mean aggregation
    return agg @ Wl.T + bl + x @ Wr.T


def reference(x, edge_index, edge_pairs, W1l, b1l, W1r, W2l, b2l, W2r, Wm1, bm1, Wm2, bm2, Wm3, bm3):
    # encode (eval mode: dropout is identity)
    z = _sage_conv(x, edge_index, W1l, b1l, W1r, N)
    z = jax.nn.relu(z)
    z = _sage_conv(z, edge_index, W2l, b2l, W2r, N)
    # decode
    u = z[edge_pairs[:, 0]]
    v = z[edge_pairs[:, 1]]
    h = u * v
    h = jax.nn.relu(h @ Wm1.T + bm1)
    h = jax.nn.relu(h @ Wm2.T + bm2)
    out = (h @ Wm3.T + bm3).squeeze(-1)
    return out

if __name__ == "__main__":
    import jax
    _d = setup_inputs()
    print(jax.jit(kernel)(*tuple(_d.values())))

</pallas_src>

<mosaic_0001>
#map = affine_map<(d0, d1) -> (0, 0)>
#map1 = affine_map<(d0, d1) -> (0)>
#map2 = affine_map<(d0, d1) -> (0, 0, 0)>
module attributes {stable_mosaic.version = 14 : i64} {
  func.func @agg(%arg0: i32, %arg1: i32, %arg2: memref<10000x128xf32, #tpu.memory_space<hbm>>, %arg3: memref<320000xi32, #tpu.memory_space<hbm>>, %arg4: memref<320000xi32, #tpu.memory_space<hbm>>, %arg5: memref<10240x128xf32, #tpu.memory_space<hbm>>, %arg6: memref<2x10240x128xf32, #tpu.memory_space<hbm>>, %arg7: memref<2x80x128xf32, #tpu.memory_space<hbm>>, %arg8: memref<80xi32, #tpu.memory_space<vmem>>, %arg9: memref<80xi32, #tpu.memory_space<vmem>>, %arg10: memref<80x128xf32, #tpu.memory_space<vmem>>, %arg11: memref<10240x128xf32, #tpu.memory_space<vmem_shared>>, %arg12: memref<!tpu.dma_semaphore, #tpu.memory_space<semaphore_mem>>, %arg13: memref<80x128xf32, #tpu.memory_space<vmem>>, %arg14: memref<80xi32, #tpu.memory_space<vmem>>, %arg15: memref<80x128xf32, #tpu.memory_space<vmem_shared>>) attributes {dimension_semantics = [#tpu.dimension_semantics<core_parallel>, #tpu.dimension_semantics<subcore_parallel>], iteration_bounds = array<i64: 2, 16>, scalar_prefetch = 0 : i64, scratch_operands = 8 : i64, tpu.core_type = #tpu.core_type<sc_vector_subcore>, window_params = [{transform_indices = #map}, {transform_indices = #map1}, {transform_indices = #map1}, {transform_indices = #map}, {transform_indices = #map2}, {transform_indices = #map2}]} {
    %mul3A = arith.constant 16 : i32
    %mul3A_0 = arith.muli %arg0, %mul3A : i32
    %add3A = arith.addi %mul3A_0, %arg1 : i32
    %mul3A_1 = arith.constant 640 : i32
    %mul3A_2 = arith.muli %arg1, %mul3A_1 : i32
    "tpu.region"() ({
      %run_scoped3A = tpu.sem_alloc : memref<!tpu.dma_semaphore, #tpu.memory_space<semaphore_mem>>
      %dma_start3A = arith.constant 0 : i32
      %dma_start3A_46 = tpu.memref_slice %arg11[%mul3A_2, %dma_start3A] : memref<10240x128xf32, #tpu.memory_space<vmem_shared>> -> memref<640x128xf32, #tpu.memory_space<vmem_shared>>
      %dma_start3A_47 = arith.constant 0 : i32
      %dma_start3A_48 = tpu.memref_slice %arg5[%mul3A_2, %dma_start3A_47] : memref<10240x128xf32, #tpu.memory_space<hbm>> -> memref<640x128xf32, #tpu.memory_space<hbm>>
      tpu.enqueue_dma source(%dma_start3A_48 : memref<640x128xf32, #tpu.memory_space<hbm>>) target(%dma_start3A_46 : memref<640x128xf32, #tpu.memory_space<vmem_shared>>) target_semaphore(%run_scoped3A : memref<!tpu.dma_semaphore, #tpu.memory_space<semaphore_mem>>)
      %dma_wait3A = arith.constant 0 : i32
      %dma_wait3A_49 = tpu.memref_slice %arg11[%mul3A_2, %dma_wait3A] : memref<10240x128xf32, #tpu.memory_space<vmem_shared>> -> memref<640x128xf32, #tpu.memory_space<vmem_shared>>
      %dma_wait3A_50 = arith.constant 0 : i32
      %dma_wait3A_51 = tpu.memref_slice %arg5[%mul3A_2, %dma_wait3A_50] : memref<10240x128xf32, #tpu.memory_space<hbm>> -> memref<640x128xf32, #tpu.memory_space<hbm>>
      tpu.wait_dma2 semaphore(%run_scoped3A : memref<!tpu.dma_semaphore, #tpu.memory_space<semaphore_mem>>) src(%dma_wait3A_51 : memref<640x128xf32, #tpu.memory_space<hbm>>) dst(%dma_wait3A_49 : memref<640x128xf32, #tpu.memory_space<vmem_shared>>)
      tpu.yield
    }) : () -> ()
    "tpu.region"() ({
      %run_scoped3A = tpu.sem_alloc : memref<!tpu.dma_semaphore, #tpu.memory_space<semaphore_mem>>
      %dma_start3A = arith.constant 0 : i32
      %dma_start3A_46 = arith.constant 0 : i32
      %dma_start3A_47 = tpu.memref_slice %arg5[%dma_start3A, %dma_start3A_46] : memref<10240x128xf32, #tpu.memory_space<hbm>> -> memref<80x128xf32, #tpu.memory_space<hbm>>
      %dma_start3A_48 = arith.constant 0 : i32
      %dma_start3A_49 = arith.constant 0 : i32
      %dma_start3A_50 = tpu.memref_slice %arg5[%dma_start3A_48, %dma_start3A_49] : memref<10240x128xf32, #tpu.memory_space<hbm>> -> memref<80x128xf32, #tpu.memory_space<hbm>>
      tpu.enqueue_dma source(%dma_start3A_50 : memref<80x128xf32, #tpu.memory_space<hbm>>) target(%arg13 : memref<80x128xf32, #tpu.memory_space<vmem>>) target_semaphore(%run_scoped3A : memref<!tpu.dma_semaphore, #tpu.memory_space<semaphore_mem>>)
      %dma_wait3A = arith.constant 0 : i32
      %dma_wait3A_51 = arith.constant 0 : i32
      %dma_wait3A_52 = tpu.memref_slice %arg5[%dma_wait3A, %dma_wait3A_51] : memref<10240x128xf32, #tpu.memory_space<hbm>> -> memref<80x128xf32, #tpu.memory_space<hbm>>
      %dma_wait3A_53 = arith.constant 0 : i32
      %dma_wait3A_54 = arith.constant 0 : i32
      %dma_wait3A_55 = tpu.memref_slice %arg5[%dma_wait3A_53, %dma_wait3A_54] : memref<10240x128xf32, #tpu.memory_space<hbm>> -> memref<80x128xf32, #tpu.memory_space<hbm>>
      tpu.wait_dma2 semaphore(%run_scoped3A : memref<!tpu.dma_semaphore, #tpu.memory_space<semaphore_mem>>) src(%dma_wait3A_55 : memref<80x128xf32, #tpu.memory_space<hbm>>) dst(%arg13 : memref<80x128xf32, #tpu.memory_space<vmem>>)
      tpu.yield
    }) : () -> ()
    %lt3A = arith.constant 10 : i32
    %lt3A_3 = arith.cmpi slt, %arg1, %lt3A : i32
    %convert_element_type3A = arith.extui %lt3A_3 : i1 to i32
    %cond3A = arith.constant 0 : i32
    %cond3A_4 = arith.cmpi ne, %convert_element_type3A, %cond3A : i32
    scf.if %cond3A_4 {
      %mul3A_46 = arith.constant 8 : i32
      %mul3A_47 = arith.muli %arg1, %mul3A_46 : i32
      %mul3A_48 = arith.constant 8 : i32
      %mul3A_49 = arith.muli %arg1, %mul3A_48 : i32
      "tpu.region"() ({
        %run_scoped3A = tpu.sem_alloc : memref<!tpu.dma_semaphore, #tpu.memory_space<semaphore_mem>>
        %dma_start3A = arith.constant 0 : i32
        %dma_start3A_50 = tpu.memref_slice %arg15[%mul3A_49, %dma_start3A] : memref<80x128xf32, #tpu.memory_space<vmem_shared>> -> memref<8x128xf32, #tpu.memory_space<vmem_shared>>
        %dma_start3A_51 = arith.constant 0 : i32
        %dma_start3A_52 = tpu.memref_slice %arg5[%mul3A_47, %dma_start3A_51] : memref<10240x128xf32, #tpu.memory_space<hbm>> -> memref<8x128xf32, #tpu.memory_space<hbm>>
        tpu.enqueue_dma source(%dma_start3A_52 : memref<8x128xf32, #tpu.memory_space<hbm>>) target(%dma_start3A_50 : memref<8x128xf32, #tpu.memory_space<vmem_shared>>) target_semaphore(%run_scoped3A : memref<!tpu.dma_semaphore, #tpu.memory_space<semaphore_mem>>)
        %dma_wait3A = arith.constant 0 : i32
        %dma_wait3A_53 = tpu.memref_slice %arg15[%mul3A_49, %dma_wait3A] : memref<80x128xf32, #tpu.memory_space<vmem_shared>> -> memref<8x128xf32, #tpu.memory_space<vmem_shared>>
        %dma_wait3A_54 = arith.constant 0 : i32
        %dma_wait3A_55 = tpu.memref_slice %arg5[%mul3A_47, %dma_wait3A_54] : memref<10240x128xf32, #tpu.memory_space<hbm>> -> memref<8x128xf32, #tpu.memory_space<hbm>>
        tpu.wait_dma2 semaphore(%run_scoped3A : memref<!tpu.dma_semaphore, #tpu.memory_space<semaphore_mem>>) src(%dma_wait3A_55 : memref<8x128xf32, #tpu.memory_space<hbm>>) dst(%dma_wait3A_53 : memref<8x128xf32, #tpu.memory_space<vmem_shared>>)
        tpu.yield
      }) : () -> ()
    } else {
    }
    %iota3A = tpu.iota {dimensions = array<i32: 0>} : vector<16xi32>
    %add3A_5 = arith.constant 0 : i32
    %add3A_6 = vector.broadcast %add3A_5 : i32 to vector<16xi32>
    %add3A_7 = arith.addi %iota3A, %add3A_6 : vector<16xi32>
    %swap3A = arith.constant 0 : index
    %swap3A_8 = tpu.vector_load %arg14[%swap3A] {strides = array<i32>} : memref<80xi32, #tpu.memory_space<vmem>>, vector<16xi32>,
    tpu.vector_store %arg14[%swap3A], %add3A_7 {strides = array<i32>} : memref<80xi32, #tpu.memory_space<vmem>>, vector<16xi32>,
    %iota3A_9 = tpu.iota {dimensions = array<i32: 0>} : vector<16xi32>
    %add3A_10 = arith.constant 16 : i32
    %add3A_11 = vector.broadcast %add3A_10 : i32 to vector<16xi32>
    %add3A_12 = arith.addi %iota3A_9, %add3A_11 : vector<16xi32>
    %swap3A_13 = arith.constant 16 : index
    %swap3A_14 = tpu.vector_load %arg14[%swap3A_13] {strides = array<i32>} : memref<80xi32, #tpu.memory_space<vmem>>, vector<16xi32>,
    tpu.vector_store %arg14[%swap3A_13], %add3A_12 {strides = array<i32>} : memref<80xi32, #tpu.memory_space<vmem>>, vector<16xi32>,
    %iota3A_15 = tpu.iota {dimensions = array<i32: 0>} : vector<16xi32>
    %add3A_16 = arith.constant 32 : i32
    %add3A_17 = vector.broadcast %add3A_16 : i32 to vector<16xi32>
    %add3A_18 = arith.addi %iota3A_15, %add3A_17 : vector<16xi32>
    %swap3A_19 = arith.constant 32 : index
    %swap3A_20 = tpu.vector_load %arg14[%swap3A_19] {strides = array<i32>} : memref<80xi32, #tpu.memory_space<vmem>>, vector<16xi32>,
    tpu.vector_store %arg14[%swap3A_19], %add3A_18 {strides = array<i32>} : memref<80xi32, #tpu.memory_space<vmem>>, vector<16xi32>,
    %iota3A_21 = tpu.iota {dimensions = array<i32: 0>} : vector<16xi32>
    %add3A_22 = arith.constant 48 : i32
    %add3A_23 = vector.broadcast %add3A_22 : i32 to vector<16xi32>
    %add3A_24 = arith.addi %iota3A_21, %add3A_23 : vector<16xi32>
    %swap3A_25 = arith.constant 48 : index
    %swap3A_26 = tpu.vector_load %arg14[%swap3A_25] {strides = array<i32>} : memref<80xi32, #tpu.memory_space<vmem>>, vector<16xi32>,
    tpu.vector_store %arg14[%swap3A_25], %add3A_24 {strides = array<i32>} : memref<80xi32, #tpu.memory_space<vmem>>, vector<16xi32>,
    %iota3A_27 = tpu.iota {dimensions = array<i32: 0>} : vector<16xi32>
    %add3A_28 = arith.constant 64 : i32
    %add3A_29 = vector.broadcast %add3A_28 : i32 to vector<16xi32>
    %add3A_30 = arith.addi %iota3A_27, %add3A_29 : vector<16xi32>
    %swap3A_31 = arith.constant 64 : index
    %swap3A_32 = tpu.vector_load %arg14[%swap3A_31] {strides = array<i32>} : memref<80xi32, #tpu.memory_space<vmem>>, vector<16xi32>,
    tpu.vector_store %arg14[%swap3A_31], %add3A_30 {strides = array<i32>} : memref<80xi32, #tpu.memory_space<vmem>>, vector<16xi32>,
    %barrier3A = arith.constant 0 : index
    tpu.barrier barrier_id(%barrier3A)
    %broadcast_in_dim3A = arith.constant 1.000000e+00 : f32
    %broadcast_in_dim3A_33 = vector.broadcast %broadcast_in_dim3A : f32 to vector<16xf32>
    %scan3A = arith.constant 0 : i32
    %scan3A_34 = arith.constant 0 : i32
    %scan3A_35 = arith.constant 125 : i32
    %scan3A_36 = arith.addi %scan3A_34, %scan3A_35 : i32
    %scan3A_37 = arith.constant 1 : i32
    scf.for %scan3A_46 = %scan3A_34 to %scan3A_36 step %scan3A_37  : i32 {
      %mul3A_47 = arith.constant 125 : i32
      %mul3A_48 = arith.muli %add3A, %mul3A_47 : i32
      %add3A_49 = arith.addi %mul3A_48, %scan3A_46 : i32
      %mul3A_50 = arith.constant 80 : i32
      %mul3A_51 = arith.muli %add3A_49, %mul3A_50 : i32
      "tpu.region"() ({
        %run_scoped3A = tpu.sem_alloc : memref<!tpu.dma_semaphore, #tpu.memory_space<semaphore_mem>>
        %dma_start3A_93 = tpu.memref_slice %arg3[%mul3A_51] : memref<320000xi32, #tpu.memory_space<hbm>> -> memref<80xi32, #tpu.memory_space<hbm>>
        %dma_start3A_94 = tpu.memref_slice %arg3[%mul3A_51] : memref<320000xi32, #tpu.memory_space<hbm>> -> memref<80xi32, #tpu.memory_space<hbm>>
        tpu.enqueue_dma source(%dma_start3A_94 : memref<80xi32, #tpu.memory_space<hbm>>) target(%arg8 : memref<80xi32, #tpu.memory_space<vmem>>) target_semaphore(%run_scoped3A : memref<!tpu.dma_semaphore, #tpu.memory_space<semaphore_mem>>)
        %dma_wait3A_95 = tpu.memref_slice %arg3[%mul3A_51] : memref<320000xi32, #tpu.memory_space<hbm>> -> memref<80xi32, #tpu.memory_space<hbm>>
        %dma_wait3A_96 = tpu.memref_slice %arg3[%mul3A_51] : memref<320000xi32, #tpu.memory_space<hbm>> -> memref<80xi32, #tpu.memory_space<hbm>>
        tpu.wait_dma2 semaphore(%run_scoped3A : memref<!tpu.dma_semaphore, #tpu.memory_space<semaphore_mem>>) src(%dma_wait3A_96 : memref<80xi32, #tpu.memory_space<hbm>>) dst(%arg8 : memref<80xi32, #tpu.memory_space<vmem>>)
        tpu.yield
      }) : () -> ()
      "tpu.region"() ({
        %run_scoped3A = tpu.sem_alloc : memref<!tpu.dma_semaphore, #tpu.memory_space<semaphore_mem>>
        %dma_start3A_93 = tpu.memref_slice %arg4[%mul3A_51] : memref<320000xi32, #tpu.memory_space<hbm>> -> memref<80xi32, #tpu.memory_space<hbm>>
        %dma_start3A_94 = tpu.memref_slice %arg4[%mul3A_51] : memref<320000xi32, #tpu.memory_space<hbm>> -> memref<80xi32, #tpu.memory_space<hbm>>
        tpu.enqueue_dma source(%dma_start3A_94 : memref<80xi32, #tpu.memory_space<hbm>>) target(%arg9 : memref<80xi32, #tpu.memory_space<vmem>>) target_semaphore(%run_scoped3A : memref<!tpu.dma_semaphore, #tpu.memory_space<semaphore_mem>>)
        %dma_wait3A_95 = tpu.memref_slice %arg4[%mul3A_51] : memref<320000xi32, #tpu.memory_space<hbm>> -> memref<80xi32, #tpu.memory_space<hbm>>
        %dma_wait3A_96 = tpu.memref_slice %arg4[%mul3A_51] : memref<320000xi32, #tpu.memory_space<hbm>> -> memref<80xi32, #tpu.memory_space<hbm>>
        tpu.wait_dma2 semaphore(%run_scoped3A : memref<!tpu.dma_semaphore, #tpu.memory_space<semaphore_mem>>) src(%dma_wait3A_96 : memref<80xi32, #tpu.memory_space<hbm>>) dst(%arg9 : memref<80xi32, #tpu.memory_space<vmem>>)
        tpu.yield
      }) : () -> ()
      %dma_start3A = arith.constant 0 : i32
      %dma_start3A_52 = arith.constant 0 : i32
      %dma_start3A_53 = tpu.memref_slice %arg2[%dma_start3A, %dma_start3A_52] : memref<10000x128xf32, #tpu.memory_space<hbm>> -> memref<10000x128xf32, #tpu.memory_space<hbm>>
      tpu.enqueue_indirect_dma source(%dma_start3A_53 : memref<10000x128xf32, #tpu.memory_space<hbm>>) target(%arg10 : memref<80x128xf32, #tpu.memory_space<vmem>>) offsets(%arg8 : memref<80xi32, #tpu.memory_space<vmem>>) semaphore(%arg12 : memref<!tpu.dma_semaphore, #tpu.memory_space<semaphore_mem>>)
      %dma_wait3A = arith.constant 0 : i32
      %dma_wait3A_54 = arith.constant 0 : i32
      %dma_wait3A_55 = tpu.memref_slice %arg2[%dma_wait3A, %dma_wait3A_54] : memref<10000x128xf32, #tpu.memory_space<hbm>> -> memref<10000x128xf32, #tpu.memory_space<hbm>>
      tpu.wait_indirect_dma semaphore(%arg12 : memref<!tpu.dma_semaphore, #tpu.memory_space<semaphore_mem>>) src(%dma_wait3A_55 : memref<10000x128xf32, #tpu.memory_space<hbm>>) dst(%arg10 : memref<80x128xf32, #tpu.memory_space<vmem>>)
      "tpu.region"() ({
        %run_scoped3A = tpu.sem_alloc : memref<!tpu.dma_semaphore, #tpu.memory_space<semaphore_mem>>
        %dma_start3A_93 = arith.constant 0 : i32
        %dma_start3A_94 = arith.constant 0 : i32
        %dma_start3A_95 = tpu.memref_slice %arg11[%dma_start3A_93, %dma_start3A_94] : memref<10240x128xf32, #tpu.memory_space<vmem_shared>> -> memref<10240x128xf32, #tpu.memory_space<vmem_shared>>
        tpu.enqueue_indirect_dma source(%arg10 : memref<80x128xf32, #tpu.memory_space<vmem>>) target(%dma_start3A_95 : memref<10240x128xf32, #tpu.memory_space<vmem_shared>>) offsets(%arg9 : memref<80xi32, #tpu.memory_space<vmem>>) semaphore(%run_scoped3A : memref<!tpu.dma_semaphore, #tpu.memory_space<semaphore_mem>>) {add = true}
        %dma_wait3A_96 = arith.constant 0 : i32
        %dma_wait3A_97 = arith.constant 0 : i32
        %dma_wait3A_98 = tpu.memref_slice %arg11[%dma_wait3A_96, %dma_wait3A_97] : memref<10240x128xf32, #tpu.memory_space<vmem_shared>> -> memref<10240x128xf32, #tpu.memory_space<vmem_shared>>
        tpu.wait_indirect_dma semaphore(%run_scoped3A : memref<!tpu.dma_semaphore, #tpu.memory_space<semaphore_mem>>) src(%arg10 : memref<80x128xf32, #tpu.memory_space<vmem>>) dst(%dma_wait3A_98 : memref<10240x128xf32, #tpu.memory_space<vmem_shared>>)
        tpu.yield
      }) : () -> ()
      %get3A = arith.constant 0 : index
      %get3A_56 = tpu.vector_load %arg9[%get3A] {strides = array<i32>} : memref<80xi32, #tpu.memory_space<vmem>>, vector<16xi32>,
      %shift_right_logical3A = arith.constant 7 : i32
      %shift_right_logical3A_57 = vector.broadcast %shift_right_logical3A : i32 to vector<16xi32>
      %shift_right_logical3A_58 = arith.shrui %get3A_56, %shift_right_logical3A_57 : vector<16xi32>
      %and3A = arith.constant 127 : i32
      %and3A_59 = vector.broadcast %and3A : i32 to vector<16xi32>
      %and3A_60 = arith.andi %get3A_56, %and3A_59 : vector<16xi32>
      tpu.vector_store_idx %arg13[%shift_right_logical3A_58, %and3A_60], %broadcast_in_dim3A_33 {add = true} : memref<80x128xf32, #tpu.memory_space<vmem>>[vector<16xi32>, vector<16xi32>], vector<16xf32>,
      %get3A_61 = arith.constant 16 : index
      %get3A_62 = tpu.vector_load %arg9[%get3A_61] {strides = array<i32>} : memref<80xi32, #tpu.memory_space<vmem>>, vector<16xi32>,
      %shift_right_logical3A_63 = arith.constant 7 : i32
      %shift_right_logical3A_64 = vector.broadcast %shift_right_logical3A_63 : i32 to vector<16xi32>
      %shift_right_logical3A_65 = arith.shrui %get3A_62, %shift_right_logical3A_64 : vector<16xi32>
      %and3A_66 = arith.constant 127 : i32
      %and3A_67 = vector.broadcast %and3A_66 : i32 to vector<16xi32>
      %and3A_68 = arith.andi %get3A_62, %and3A_67 : vector<16xi32>
      tpu.vector_store_idx %arg13[%shift_right_logical3A_65, %and3A_68], %broadcast_in_dim3A_33 {add = true} : memref<80x128xf32, #tpu.memory_space<vmem>>[vector<16xi32>, vector<16xi32>], vector<16xf32>,
      %get3A_69 = arith.constant 32 : index
      %get3A_70 = tpu.vector_load %arg9[%get3A_69] {strides = array<i32>} : memref<80xi32, #tpu.memory_space<vmem>>, vector<16xi32>,
      %shift_right_logical3A_71 = arith.constant 7 : i32
      %shift_right_logical3A_72 = vector.broadcast %shift_right_logical3A_71 : i32 to vector<16xi32>
      %shift_right_logical3A_73 = arith.shrui %get3A_70, %shift_right_logical3A_72 : vector<16xi32>
      %and3A_74 = arith.constant 127 : i32
      %and3A_75 = vector.broadcast %and3A_74 : i32 to vector<16xi32>
      %and3A_76 = arith.andi %get3A_70, %and3A_75 : vector<16xi32>
      tpu.vector_store_idx %arg13[%shift_right_logical3A_73, %and3A_76], %broadcast_in_dim3A_33 {add = true} : memref<80x128xf32, #tpu.memory_space<vmem>>[vector<16xi32>, vector<16xi32>], vector<16xf32>,
      %get3A_77 = arith.constant 48 : index
      %get3A_78 = tpu.vector_load %arg9[%get3A_77] {strides = array<i32>} : memref<80xi32, #tpu.memory_space<vmem>>, vector<16xi32>,
      %shift_right_logical3A_79 = arith.constant 7 : i32
      %shift_right_logical3A_80 = vector.broadcast %shift_right_logical3A_79 : i32 to vector<16xi32>
      %shift_right_logical3A_81 = arith.shrui %get3A_78, %shift_right_logical3A_80 : vector<16xi32>
      %and3A_82 = arith.constant 127 : i32
      %and3A_83 = vector.broadcast %and3A_82 : i32 to vector<16xi32>
      %and3A_84 = arith.andi %get3A_78, %and3A_83 : vector<16xi32>
      tpu.vector_store_idx %arg13[%shift_right_logical3A_81, %and3A_84], %broadcast_in_dim3A_33 {add = true} : memref<80x128xf32, #tpu.memory_space<vmem>>[vector<16xi32>, vector<16xi32>], vector<16xf32>,
      %get3A_85 = arith.constant 64 : index
      %get3A_86 = tpu.vector_load %arg9[%get3A_85] {strides = array<i32>} : memref<80xi32, #tpu.memory_space<vmem>>, vector<16xi32>,
      %shift_right_logical3A_87 = arith.constant 7 : i32
      %shift_right_logical3A_88 = vector.broadcast %shift_right_logical3A_87 : i32 to vector<16xi32>
      %shift_right_logical3A_89 = arith.shrui %get3A_86, %shift_right_logical3A_88 : vector<16xi32>
      %and3A_90 = arith.constant 127 : i32
      %and3A_91 = vector.broadcast %and3A_90 : i32 to vector<16xi32>
      %and3A_92 = arith.andi %get3A_86, %and3A_91 : vector<16xi32>
      tpu.vector_store_idx %arg13[%shift_right_logical3A_89, %and3A_92], %broadcast_in_dim3A_33 {add = true} : memref<80x128xf32, #tpu.memory_space<vmem>>[vector<16xi32>, vector<16xi32>], vector<16xf32>,
    }
    %scan3A_38 = arith.constant 125 : i32
    %barrier3A_39 = arith.constant 0 : index
    tpu.barrier barrier_id(%barrier3A_39)
    "tpu.region"() ({
      %run_scoped3A = tpu.sem_alloc : memref<!tpu.dma_semaphore, #tpu.memory_space<semaphore_mem>>
      %dma_start3A = arith.constant 0 : i32
      %dma_start3A_46 = tpu.memref_slice %arg6[%arg0, %mul3A_2, %dma_start3A] : memref<2x10240x128xf32, #tpu.memory_space<hbm>> -> memref<1x640x128xf32, #tpu.memory_space<hbm>>
      %dma_start3A_47 = tpu.memref_squeeze %dma_start3A_46 : memref<1x640x128xf32, #tpu.memory_space<hbm>> -> memref<640x128xf32, #tpu.memory_space<hbm>>
      %dma_start3A_48 = arith.constant 0 : i32
      %dma_start3A_49 = tpu.memref_slice %arg11[%mul3A_2, %dma_start3A_48] : memref<10240x128xf32, #tpu.memory_space<vmem_shared>> -> memref<640x128xf32, #tpu.memory_space<vmem_shared>>
      tpu.enqueue_dma source(%dma_start3A_49 : memref<640x128xf32, #tpu.memory_space<vmem_shared>>) target(%dma_start3A_47 : memref<640x128xf32, #tpu.memory_space<hbm>>) target_semaphore(%run_scoped3A : memref<!tpu.dma_semaphore, #tpu.memory_space<semaphore_mem>>)
      %dma_wait3A = arith.constant 0 : i32
      %dma_wait3A_50 = tpu.memref_slice %arg6[%arg0, %mul3A_2, %dma_wait3A] : memref<2x10240x128xf32, #tpu.memory_space<hbm>> -> memref<1x640x128xf32, #tpu.memory_space<hbm>>
      %dma_wait3A_51 = tpu.memref_squeeze %dma_wait3A_50 : memref<1x640x128xf32, #tpu.memory_space<hbm>> -> memref<640x128xf32, #tpu.memory_space<hbm>>
      %dma_wait3A_52 = arith.constant 0 : i32
      %dma_wait3A_53 = tpu.memref_slice %arg11[%mul3A_2, %dma_wait3A_52] : memref<10240x128xf32, #tpu.memory_space<vmem_shared>> -> memref<640x128xf32, #tpu.memory_space<vmem_shared>>
      tpu.wait_dma2 semaphore(%run_scoped3A : memref<!tpu.dma_semaphore, #tpu.memory_space<semaphore_mem>>) src(%dma_wait3A_53 : memref<640x128xf32, #tpu.memory_space<vmem_shared>>) dst(%dma_wait3A_51 : memref<640x128xf32, #tpu.memory_space<hbm>>)
      tpu.yield
    }) : () -> ()
    "tpu.region"() ({
      %run_scoped3A = tpu.sem_alloc : memref<!tpu.dma_semaphore, #tpu.memory_space<semaphore_mem>>
      %dma_start3A = arith.constant 0 : i32
      %dma_start3A_46 = arith.constant 0 : i32
      %dma_start3A_47 = tpu.memref_slice %arg15[%dma_start3A, %dma_start3A_46] : memref<80x128xf32, #tpu.memory_space<vmem_shared>> -> memref<80x128xf32, #tpu.memory_space<vmem_shared>>
      tpu.enqueue_indirect_dma source(%arg13 : memref<80x128xf32, #tpu.memory_space<vmem>>) target(%dma_start3A_47 : memref<80x128xf32, #tpu.memory_space<vmem_shared>>) offsets(%arg14 : memref<80xi32, #tpu.memory_space<vmem>>) semaphore(%run_scoped3A : memref<!tpu.dma_semaphore, #tpu.memory_space<semaphore_mem>>) {add = true}
      %dma_wait3A = arith.constant 0 : i32
      %dma_wait3A_48 = arith.constant 0 : i32
      %dma_wait3A_49 = tpu.memref_slice %arg15[%dma_wait3A, %dma_wait3A_48] : memref<80x128xf32, #tpu.memory_space<vmem_shared>> -> memref<80x128xf32, #tpu.memory_space<vmem_shared>>
      tpu.wait_indirect_dma semaphore(%run_scoped3A : memref<!tpu.dma_semaphore, #tpu.memory_space<semaphore_mem>>) src(%arg13 : memref<80x128xf32, #tpu.memory_space<vmem>>) dst(%dma_wait3A_49 : memref<80x128xf32, #tpu.memory_space<vmem_shared>>)
      tpu.yield
    }) : () -> ()
    %barrier3A_40 = arith.constant 0 : index
    tpu.barrier barrier_id(%barrier3A_40)
    %lt3A_41 = arith.constant 10 : i32
    %lt3A_42 = arith.cmpi slt, %arg1, %lt3A_41 : i32
    %convert_element_type3A_43 = arith.extui %lt3A_42 : i1 to i32
    %cond3A_44 = arith.constant 0 : i32
    %cond3A_45 = arith.cmpi ne, %convert_element_type3A_43, %cond3A_44 : i32
    scf.if %cond3A_45 {
      %mul3A_46 = arith.constant 8 : i32
      %mul3A_47 = arith.muli %arg1, %mul3A_46 : i32
      %mul3A_48 = arith.constant 8 : i32
      %mul3A_49 = arith.muli %arg1, %mul3A_48 : i32
      "tpu.region"() ({
        %run_scoped3A = tpu.sem_alloc : memref<!tpu.dma_semaphore, #tpu.memory_space<semaphore_mem>>
        %dma_start3A = arith.constant 0 : i32
        %dma_start3A_50 = tpu.memref_slice %arg7[%arg0, %mul3A_49, %dma_start3A] : memref<2x80x128xf32, #tpu.memory_space<hbm>> -> memref<1x8x128xf32, #tpu.memory_space<hbm>>
        %dma_start3A_51 = tpu.memref_squeeze %dma_start3A_50 : memref<1x8x128xf32, #tpu.memory_space<hbm>> -> memref<8x128xf32, #tpu.memory_space<hbm>>
        %dma_start3A_52 = arith.constant 0 : i32
        %dma_start3A_53 = tpu.memref_slice %arg15[%mul3A_47, %dma_start3A_52] : memref<80x128xf32, #tpu.memory_space<vmem_shared>> -> memref<8x128xf32, #tpu.memory_space<vmem_shared>>
        tpu.enqueue_dma source(%dma_start3A_53 : memref<8x128xf32, #tpu.memory_space<vmem_shared>>) target(%dma_start3A_51 : memref<8x128xf32, #tpu.memory_space<hbm>>) target_semaphore(%run_scoped3A : memref<!tpu.dma_semaphore, #tpu.memory_space<semaphore_mem>>)
        %dma_wait3A = arith.constant 0 : i32
        %dma_wait3A_54 = tpu.memref_slice %arg7[%arg0, %mul3A_49, %dma_wait3A] : memref<2x80x128xf32, #tpu.memory_space<hbm>> -> memref<1x8x128xf32, #tpu.memory_space<hbm>>
        %dma_wait3A_55 = tpu.memref_squeeze %dma_wait3A_54 : memref<1x8x128xf32, #tpu.memory_space<hbm>> -> memref<8x128xf32, #tpu.memory_space<hbm>>
        %dma_wait3A_56 = arith.constant 0 : i32
        %dma_wait3A_57 = tpu.memref_slice %arg15[%mul3A_47, %dma_wait3A_56] : memref<80x128xf32, #tpu.memory_space<vmem_shared>> -> memref<8x128xf32, #tpu.memory_space<vmem_shared>>
        tpu.wait_dma2 semaphore(%run_scoped3A : memref<!tpu.dma_semaphore, #tpu.memory_space<semaphore_mem>>) src(%dma_wait3A_57 : memref<8x128xf32, #tpu.memory_space<vmem_shared>>) dst(%dma_wait3A_55 : memref<8x128xf32, #tpu.memory_space<hbm>>)
        tpu.yield
      }) : () -> ()
    } else {
    }
    return
  }
}

#map = affine_map<(d0, d1) -> (0, 0)>
#map1 = affine_map<(d0, d1) -> (0)>
module attributes {stable_mosaic.version = 14 : i64} {
  func.func @pair_gather(%arg0: i32, %arg1: i32, %arg2: memref<10000x128xf32, #tpu.memory_space<hbm>>, %arg3: memref<200000xi32, #tpu.memory_space<hbm>>, %arg4: memref<200000xi32, #tpu.memory_space<hbm>>, %arg5: memref<200000x128xf32, #tpu.memory_space<hbm>>, %arg6: memref<200000x128xf32, #tpu.memory_space<hbm>>, %arg7: memref<80xi32, #tpu.memory_space<vmem>>, %arg8: memref<80x128xf32, #tpu.memory_space<vmem>>, %arg9: memref<!tpu.dma_semaphore, #tpu.memory_space<semaphore_mem>>) attributes {dimension_semantics = [#tpu.dimension_semantics<core_parallel>, #tpu.dimension_semantics<subcore_parallel>], iteration_bounds = array<i64: 2, 16>, scalar_prefetch = 0 : i64, scratch_operands = 3 : i64, tpu.core_type = #tpu.core_type<sc_vector_subcore>, window_params = [{transform_indices = #map}, {transform_indices = #map1}, {transform_indices = #map1}, {transform_indices = #map}, {transform_indices = #map}]} {
    %mul3A = arith.constant 16 : i32
    %mul3A_0 = arith.muli %arg0, %mul3A : i32
    %add3A = arith.addi %mul3A_0, %arg1 : i32
    %sub3A = arith.constant 2500 : i32
    %sub3A_1 = arith.subi %sub3A, %add3A : i32
    %add3A_2 = arith.constant 32 : i32
    %add3A_3 = arith.addi %sub3A_1, %add3A_2 : i32
    %sub3A_4 = arith.constant 1 : i32
    %sub3A_5 = arith.subi %add3A_3, %sub3A_4 : i32
    %jit3A = arith.constant 32 : i32
    %div3A = arith.divsi %sub3A_5, %jit3A : i32
    %sign3A = arith.constant 0 : i32
    %sign3A_6 = arith.cmpi sgt, %sub3A_5, %sign3A : i32
    %sign3A_7 = arith.extui %sign3A_6 : i1 to i32
    %sign3A_8 = arith.constant 0 : i32
    %sign3A_9 = arith.cmpi slt, %sub3A_5, %sign3A_8 : i32
    %sign3A_10 = arith.extui %sign3A_9 : i1 to i32
    %sign3A_11 = arith.subi %sign3A_7, %sign3A_10 : i32
    %sign3A_12 = arith.constant 0 : i32
    %sign3A_13 = arith.cmpi sgt, %jit3A, %sign3A_12 : i32
    %sign3A_14 = arith.extui %sign3A_13 : i1 to i32
    %sign3A_15 = arith.constant 0 : i32
    %sign3A_16 = arith.cmpi slt, %jit3A, %sign3A_15 : i32
    %sign3A_17 = arith.extui %sign3A_16 : i1 to i32
    %sign3A_18 = arith.subi %sign3A_14, %sign3A_17 : i32
    %ne3A = arith.cmpi ne, %sign3A_11, %sign3A_18 : i32
    %rem3A = arith.remsi %sub3A_5, %jit3A : i32
    %ne3A_19 = arith.constant 0 : i32
    %ne3A_20 = arith.cmpi ne, %rem3A, %ne3A_19 : i32
    %and3A = arith.andi %ne3A, %ne3A_20 : i1
    %sub3A_21 = arith.constant 1 : i32
    %sub3A_22 = arith.subi %div3A, %sub3A_21 : i32
    %select_n3A = arith.select %and3A, %sub3A_22, %div3A : i32
    %while3A = arith.constant 0 : i32
    %while3A_23 = arith.constant 0 : i32
    %while3A_24 = arith.subi %select_n3A, %while3A_23 : i32
    %while3A_25 = arith.addi %while3A_23, %while3A_24 : i32
    %while3A_26 = arith.constant 1 : i32
    %while3A_27 = arith.divsi %while3A_24, %while3A_26 : i32
    %while3A_28 = arith.muli %while3A_27, %while3A_26 : i32
    %while3A_29 = arith.addi %while3A_23, %while3A_28 : i32
    %while3A_30 = arith.constant 1 : i32
    scf.for %while3A_32 = %while3A_23 to %while3A_29 step %while3A_30  : i32 {
      %mul3A_33 = arith.constant 32 : i32
      %mul3A_34 = arith.muli %while3A_32, %mul3A_33 : i32
      %add3A_35 = arith.addi %add3A, %mul3A_34 : i32
      %mul3A_36 = arith.constant 80 : i32
      %mul3A_37 = arith.muli %add3A_35, %mul3A_36 : i32
      "tpu.region"() ({
        %run_scoped3A = tpu.sem_alloc : memref<!tpu.dma_semaphore, #tpu.memory_space<semaphore_mem>>
        %dma_start3A_48 = tpu.memref_slice %arg3[%mul3A_37] : memref<200000xi32, #tpu.memory_space<hbm>> -> memref<80xi32, #tpu.memory_space<hbm>>
        %dma_start3A_49 = tpu.memref_slice %arg3[%mul3A_37] : memref<200000xi32, #tpu.memory_space<hbm>> -> memref<80xi32, #tpu.memory_space<hbm>>
        tpu.enqueue_dma source(%dma_start3A_49 : memref<80xi32, #tpu.memory_space<hbm>>) target(%arg7 : memref<80xi32, #tpu.memory_space<vmem>>) target_semaphore(%run_scoped3A : memref<!tpu.dma_semaphore, #tpu.memory_space<semaphore_mem>>)
        %dma_wait3A_50 = tpu.memref_slice %arg3[%mul3A_37] : memref<200000xi32, #tpu.memory_space<hbm>> -> memref<80xi32, #tpu.memory_space<hbm>>
        %dma_wait3A_51 = tpu.memref_slice %arg3[%mul3A_37] : memref<200000xi32, #tpu.memory_space<hbm>> -> memref<80xi32, #tpu.memory_space<hbm>>
        tpu.wait_dma2 semaphore(%run_scoped3A : memref<!tpu.dma_semaphore, #tpu.memory_space<semaphore_mem>>) src(%dma_wait3A_51 : memref<80xi32, #tpu.memory_space<hbm>>) dst(%arg7 : memref<80xi32, #tpu.memory_space<vmem>>)
        tpu.yield
      }) : () -> ()
      %dma_start3A = arith.constant 0 : i32
      %dma_start3A_38 = arith.constant 0 : i32
      %dma_start3A_39 = tpu.memref_slice %arg2[%dma_start3A, %dma_start3A_38] : memref<10000x128xf32, #tpu.memory_space<hbm>> -> memref<10000x128xf32, #tpu.memory_space<hbm>>
      tpu.enqueue_indirect_dma source(%dma_start3A_39 : memref<10000x128xf32, #tpu.memory_space<hbm>>) target(%arg8 : memref<80x128xf32, #tpu.memory_space<vmem>>) offsets(%arg7 : memref<80xi32, #tpu.memory_space<vmem>>) semaphore(%arg9 : memref<!tpu.dma_semaphore, #tpu.memory_space<semaphore_mem>>)
      %dma_wait3A = arith.constant 0 : i32
      %dma_wait3A_40 = arith.constant 0 : i32
      %dma_wait3A_41 = tpu.memref_slice %arg2[%dma_wait3A, %dma_wait3A_40] : memref<10000x128xf32, #tpu.memory_space<hbm>> -> memref<10000x128xf32, #tpu.memory_space<hbm>>
      tpu.wait_indirect_dma semaphore(%arg9 : memref<!tpu.dma_semaphore, #tpu.memory_space<semaphore_mem>>) src(%dma_wait3A_41 : memref<10000x128xf32, #tpu.memory_space<hbm>>) dst(%arg8 : memref<80x128xf32, #tpu.memory_space<vmem>>)
      "tpu.region"() ({
        %run_scoped3A = tpu.sem_alloc : memref<!tpu.dma_semaphore, #tpu.memory_space<semaphore_mem>>
        %dma_start3A_48 = arith.constant 0 : i32
        %dma_start3A_49 = tpu.memref_slice %arg5[%mul3A_37, %dma_start3A_48] : memref<200000x128xf32, #tpu.memory_space<hbm>> -> memref<80x128xf32, #tpu.memory_space<hbm>>
        %dma_start3A_50 = arith.constant 0 : i32
        %dma_start3A_51 = tpu.memref_slice %arg5[%mul3A_37, %dma_start3A_50] : memref<200000x128xf32, #tpu.memory_space<hbm>> -> memref<80x128xf32, #tpu.memory_space<hbm>>
        tpu.enqueue_dma source(%arg8 : memref<80x128xf32, #tpu.memory_space<vmem>>) target(%dma_start3A_51 : memref<80x128xf32, #tpu.memory_space<hbm>>) target_semaphore(%run_scoped3A : memref<!tpu.dma_semaphore, #tpu.memory_space<semaphore_mem>>)
        %dma_wait3A_52 = arith.constant 0 : i32
        %dma_wait3A_53 = tpu.memref_slice %arg5[%mul3A_37, %dma_wait3A_52] : memref<200000x128xf32, #tpu.memory_space<hbm>> -> memref<80x128xf32, #tpu.memory_space<hbm>>
        %dma_wait3A_54 = arith.constant 0 : i32
        %dma_wait3A_55 = tpu.memref_slice %arg5[%mul3A_37, %dma_wait3A_54] : memref<200000x128xf32, #tpu.memory_space<hbm>> -> memref<80x128xf32, #tpu.memory_space<hbm>>
        tpu.wait_dma2 semaphore(%run_scoped3A : memref<!tpu.dma_semaphore, #tpu.memory_space<semaphore_mem>>) src(%arg8 : memref<80x128xf32, #tpu.memory_space<vmem>>) dst(%dma_wait3A_55 : memref<80x128xf32, #tpu.memory_space<hbm>>)
        tpu.yield
      }) : () -> ()
      "tpu.region"() ({
        %run_scoped3A = tpu.sem_alloc : memref<!tpu.dma_semaphore, #tpu.memory_space<semaphore_mem>>
        %dma_start3A_48 = tpu.memref_slice %arg4[%mul3A_37] : memref<200000xi32, #tpu.memory_space<hbm>> -> memref<80xi32, #tpu.memory_space<hbm>>
        %dma_start3A_49 = tpu.memref_slice %arg4[%mul3A_37] : memref<200000xi32, #tpu.memory_space<hbm>> -> memref<80xi32, #tpu.memory_space<hbm>>
        tpu.enqueue_dma source(%dma_start3A_49 : memref<80xi32, #tpu.memory_space<hbm>>) target(%arg7 : memref<80xi32, #tpu.memory_space<vmem>>) target_semaphore(%run_scoped3A : memref<!tpu.dma_semaphore, #tpu.memory_space<semaphore_mem>>)
        %dma_wait3A_50 = tpu.memref_slice %arg4[%mul3A_37] : memref<200000xi32, #tpu.memory_space<hbm>> -> memref<80xi32, #tpu.memory_space<hbm>>
        %dma_wait3A_51 = tpu.memref_slice %arg4[%mul3A_37] : memref<200000xi32, #tpu.memory_space<hbm>> -> memref<80xi32, #tpu.memory_space<hbm>>
        tpu.wait_dma2 semaphore(%run_scoped3A : memref<!tpu.dma_semaphore, #tpu.memory_space<semaphore_mem>>) src(%dma_wait3A_51 : memref<80xi32, #tpu.memory_space<hbm>>) dst(%arg7 : memref<80xi32, #tpu.memory_space<vmem>>)
        tpu.yield
      }) : () -> ()
      %dma_start3A_42 = arith.constant 0 : i32
      %dma_start3A_43 = arith.constant 0 : i32
      %dma_start3A_44 = tpu.memref_slice %arg2[%dma_start3A_42, %dma_start3A_43] : memref<10000x128xf32, #tpu.memory_space<hbm>> -> memref<10000x128xf32, #tpu.memory_space<hbm>>
      tpu.enqueue_indirect_dma source(%dma_start3A_44 : memref<10000x128xf32, #tpu.memory_space<hbm>>) target(%arg8 : memref<80x128xf32, #tpu.memory_space<vmem>>) offsets(%arg7 : memref<80xi32, #tpu.memory_space<vmem>>) semaphore(%arg9 : memref<!tpu.dma_semaphore, #tpu.memory_space<semaphore_mem>>)
      %dma_wait3A_45 = arith.constant 0 : i32
      %dma_wait3A_46 = arith.constant 0 : i32
      %dma_wait3A_47 = tpu.memref_slice %arg2[%dma_wait3A_45, %dma_wait3A_46] : memref<10000x128xf32, #tpu.memory_space<hbm>> -> memref<10000x128xf32, #tpu.memory_space<hbm>>
      tpu.wait_indirect_dma semaphore(%arg9 : memref<!tpu.dma_semaphore, #tpu.memory_space<semaphore_mem>>) src(%dma_wait3A_47 : memref<10000x128xf32, #tpu.memory_space<hbm>>) dst(%arg8 : memref<80x128xf32, #tpu.memory_space<vmem>>)
      "tpu.region"() ({
        %run_scoped3A = tpu.sem_alloc : memref<!tpu.dma_semaphore, #tpu.memory_space<semaphore_mem>>
        %dma_start3A_48 = arith.constant 0 : i32
        %dma_start3A_49 = tpu.memref_slice %arg6[%mul3A_37, %dma_start3A_48] : memref<200000x128xf32, #tpu.memory_space<hbm>> -> memref<80x128xf32, #tpu.memory_space<hbm>>
        %dma_start3A_50 = arith.constant 0 : i32
        %dma_start3A_51 = tpu.memref_slice %arg6[%mul3A_37, %dma_start3A_50] : memref<200000x128xf32, #tpu.memory_space<hbm>> -> memref<80x128xf32, #tpu.memory_space<hbm>>
        tpu.enqueue_dma source(%arg8 : memref<80x128xf32, #tpu.memory_space<vmem>>) target(%dma_start3A_51 : memref<80x128xf32, #tpu.memory_space<hbm>>) target_semaphore(%run_scoped3A : memref<!tpu.dma_semaphore, #tpu.memory_space<semaphore_mem>>)
        %dma_wait3A_52 = arith.constant 0 : i32
        %dma_wait3A_53 = tpu.memref_slice %arg6[%mul3A_37, %dma_wait3A_52] : memref<200000x128xf32, #tpu.memory_space<hbm>> -> memref<80x128xf32, #tpu.memory_space<hbm>>
        %dma_wait3A_54 = arith.constant 0 : i32
        %dma_wait3A_55 = tpu.memref_slice %arg6[%mul3A_37, %dma_wait3A_54] : memref<200000x128xf32, #tpu.memory_space<hbm>> -> memref<80x128xf32, #tpu.memory_space<hbm>>
        tpu.wait_dma2 semaphore(%run_scoped3A : memref<!tpu.dma_semaphore, #tpu.memory_space<semaphore_mem>>) src(%arg8 : memref<80x128xf32, #tpu.memory_space<vmem>>) dst(%dma_wait3A_55 : memref<80x128xf32, #tpu.memory_space<hbm>>)
        tpu.yield
      }) : () -> ()
    }
    %while3A_31 = arith.constant 1 : i32
    scf.for %while3A_32 = %while3A_29 to %while3A_25 step %while3A_31  : i32 {
      %mul3A_33 = arith.constant 32 : i32
      %mul3A_34 = arith.muli %while3A_32, %mul3A_33 : i32
      %add3A_35 = arith.addi %add3A, %mul3A_34 : i32
      %mul3A_36 = arith.constant 80 : i32
      %mul3A_37 = arith.muli %add3A_35, %mul3A_36 : i32
      "tpu.region"() ({
        %run_scoped3A = tpu.sem_alloc : memref<!tpu.dma_semaphore, #tpu.memory_space<semaphore_mem>>
        %dma_start3A_48 = tpu.memref_slice %arg3[%mul3A_37] : memref<200000xi32, #tpu.memory_space<hbm>> -> memref<80xi32, #tpu.memory_space<hbm>>
        %dma_start3A_49 = tpu.memref_slice %arg3[%mul3A_37] : memref<200000xi32, #tpu.memory_space<hbm>> -> memref<80xi32, #tpu.memory_space<hbm>>
        tpu.enqueue_dma source(%dma_start3A_49 : memref<80xi32, #tpu.memory_space<hbm>>) target(%arg7 : memref<80xi32, #tpu.memory_space<vmem>>) target_semaphore(%run_scoped3A : memref<!tpu.dma_semaphore, #tpu.memory_space<semaphore_mem>>)
        %dma_wait3A_50 = tpu.memref_slice %arg3[%mul3A_37] : memref<200000xi32, #tpu.memory_space<hbm>> -> memref<80xi32, #tpu.memory_space<hbm>>
        %dma_wait3A_51 = tpu.memref_slice %arg3[%mul3A_37] : memref<200000xi32, #tpu.memory_space<hbm>> -> memref<80xi32, #tpu.memory_space<hbm>>
        tpu.wait_dma2 semaphore(%run_scoped3A : memref<!tpu.dma_semaphore, #tpu.memory_space<semaphore_mem>>) src(%dma_wait3A_51 : memref<80xi32, #tpu.memory_space<hbm>>) dst(%arg7 : memref<80xi32, #tpu.memory_space<vmem>>)
        tpu.yield
      }) : () -> ()
      %dma_start3A = arith.constant 0 : i32
      %dma_start3A_38 = arith.constant 0 : i32
      %dma_start3A_39 = tpu.memref_slice %arg2[%dma_start3A, %dma_start3A_38] : memref<10000x128xf32, #tpu.memory_space<hbm>> -> memref<10000x128xf32, #tpu.memory_space<hbm>>
      tpu.enqueue_indirect_dma source(%dma_start3A_39 : memref<10000x128xf32, #tpu.memory_space<hbm>>) target(%arg8 : memref<80x128xf32, #tpu.memory_space<vmem>>) offsets(%arg7 : memref<80xi32, #tpu.memory_space<vmem>>) semaphore(%arg9 : memref<!tpu.dma_semaphore, #tpu.memory_space<semaphore_mem>>)
      %dma_wait3A = arith.constant 0 : i32
      %dma_wait3A_40 = arith.constant 0 : i32
      %dma_wait3A_41 = tpu.memref_slice %arg2[%dma_wait3A, %dma_wait3A_40] : memref<10000x128xf32, #tpu.memory_space<hbm>> -> memref<10000x128xf32, #tpu.memory_space<hbm>>
      tpu.wait_indirect_dma semaphore(%arg9 : memref<!tpu.dma_semaphore, #tpu.memory_space<semaphore_mem>>) src(%dma_wait3A_41 : memref<10000x128xf32, #tpu.memory_space<hbm>>) dst(%arg8 : memref<80x128xf32, #tpu.memory_space<vmem>>)
      "tpu.region"() ({
        %run_scoped3A = tpu.sem_alloc : memref<!tpu.dma_semaphore, #tpu.memory_space<semaphore_mem>>
        %dma_start3A_48 = arith.constant 0 : i32
        %dma_start3A_49 = tpu.memref_slice %arg5[%mul3A_37, %dma_start3A_48] : memref<200000x128xf32, #tpu.memory_space<hbm>> -> memref<80x128xf32, #tpu.memory_space<hbm>>
        %dma_start3A_50 = arith.constant 0 : i32
        %dma_start3A_51 = tpu.memref_slice %arg5[%mul3A_37, %dma_start3A_50] : memref<200000x128xf32, #tpu.memory_space<hbm>> -> memref<80x128xf32, #tpu.memory_space<hbm>>
        tpu.enqueue_dma source(%arg8 : memref<80x128xf32, #tpu.memory_space<vmem>>) target(%dma_start3A_51 : memref<80x128xf32, #tpu.memory_space<hbm>>) target_semaphore(%run_scoped3A : memref<!tpu.dma_semaphore, #tpu.memory_space<semaphore_mem>>)
        %dma_wait3A_52 = arith.constant 0 : i32
        %dma_wait3A_53 = tpu.memref_slice %arg5[%mul3A_37, %dma_wait3A_52] : memref<200000x128xf32, #tpu.memory_space<hbm>> -> memref<80x128xf32, #tpu.memory_space<hbm>>
        %dma_wait3A_54 = arith.constant 0 : i32
        %dma_wait3A_55 = tpu.memref_slice %arg5[%mul3A_37, %dma_wait3A_54] : memref<200000x128xf32, #tpu.memory_space<hbm>> -> memref<80x128xf32, #tpu.memory_space<hbm>>
        tpu.wait_dma2 semaphore(%run_scoped3A : memref<!tpu.dma_semaphore, #tpu.memory_space<semaphore_mem>>) src(%arg8 : memref<80x128xf32, #tpu.memory_space<vmem>>) dst(%dma_wait3A_55 : memref<80x128xf32, #tpu.memory_space<hbm>>)
        tpu.yield
      }) : () -> ()
      "tpu.region"() ({
        %run_scoped3A = tpu.sem_alloc : memref<!tpu.dma_semaphore, #tpu.memory_space<semaphore_mem>>
        %dma_start3A_48 = tpu.memref_slice %arg4[%mul3A_37] : memref<200000xi32, #tpu.memory_space<hbm>> -> memref<80xi32, #tpu.memory_space<hbm>>
        %dma_start3A_49 = tpu.memref_slice %arg4[%mul3A_37] : memref<200000xi32, #tpu.memory_space<hbm>> -> memref<80xi32, #tpu.memory_space<hbm>>
        tpu.enqueue_dma source(%dma_start3A_49 : memref<80xi32, #tpu.memory_space<hbm>>) target(%arg7 : memref<80xi32, #tpu.memory_space<vmem>>) target_semaphore(%run_scoped3A : memref<!tpu.dma_semaphore, #tpu.memory_space<semaphore_mem>>)
        %dma_wait3A_50 = tpu.memref_slice %arg4[%mul3A_37] : memref<200000xi32, #tpu.memory_space<hbm>> -> memref<80xi32, #tpu.memory_space<hbm>>
        %dma_wait3A_51 = tpu.memref_slice %arg4[%mul3A_37] : memref<200000xi32, #tpu.memory_space<hbm>> -> memref<80xi32, #tpu.memory_space<hbm>>
        tpu.wait_dma2 semaphore(%run_scoped3A : memref<!tpu.dma_semaphore, #tpu.memory_space<semaphore_mem>>) src(%dma_wait3A_51 : memref<80xi32, #tpu.memory_space<hbm>>) dst(%arg7 : memref<80xi32, #tpu.memory_space<vmem>>)
        tpu.yield
      }) : () -> ()
      %dma_start3A_42 = arith.constant 0 : i32
      %dma_start3A_43 = arith.constant 0 : i32
      %dma_start3A_44 = tpu.memref_slice %arg2[%dma_start3A_42, %dma_start3A_43] : memref<10000x128xf32, #tpu.memory_space<hbm>> -> memref<10000x128xf32, #tpu.memory_space<hbm>>
      tpu.enqueue_indirect_dma source(%dma_start3A_44 : memref<10000x128xf32, #tpu.memory_space<hbm>>) target(%arg8 : memref<80x128xf32, #tpu.memory_space<vmem>>) offsets(%arg7 : memref<80xi32, #tpu.memory_space<vmem>>) semaphore(%arg9 : memref<!tpu.dma_semaphore, #tpu.memory_space<semaphore_mem>>)
      %dma_wait3A_45 = arith.constant 0 : i32
      %dma_wait3A_46 = arith.constant 0 : i32
      %dma_wait3A_47 = tpu.memref_slice %arg2[%dma_wait3A_45, %dma_wait3A_46] : memref<10000x128xf32, #tpu.memory_space<hbm>> -> memref<10000x128xf32, #tpu.memory_space<hbm>>
      tpu.wait_indirect_dma semaphore(%arg9 : memref<!tpu.dma_semaphore, #tpu.memory_space<semaphore_mem>>) src(%dma_wait3A_47 : memref<10000x128xf32, #tpu.memory_space<hbm>>) dst(%arg8 : memref<80x128xf32, #tpu.memory_space<vmem>>)
      "tpu.region"() ({
        %run_scoped3A = tpu.sem_alloc : memref<!tpu.dma_semaphore, #tpu.memory_space<semaphore_mem>>
        %dma_start3A_48 = arith.constant 0 : i32
        %dma_start3A_49 = tpu.memref_slice %arg6[%mul3A_37, %dma_start3A_48] : memref<200000x128xf32, #tpu.memory_space<hbm>> -> memref<80x128xf32, #tpu.memory_space<hbm>>
        %dma_start3A_50 = arith.constant 0 : i32
        %dma_start3A_51 = tpu.memref_slice %arg6[%mul3A_37, %dma_start3A_50] : memref<200000x128xf32, #tpu.memory_space<hbm>> -> memref<80x128xf32, #tpu.memory_space<hbm>>
        tpu.enqueue_dma source(%arg8 : memref<80x128xf32, #tpu.memory_space<vmem>>) target(%dma_start3A_51 : memref<80x128xf32, #tpu.memory_space<hbm>>) target_semaphore(%run_scoped3A : memref<!tpu.dma_semaphore, #tpu.memory_space<semaphore_mem>>)
        %dma_wait3A_52 = arith.constant 0 : i32
        %dma_wait3A_53 = tpu.memref_slice %arg6[%mul3A_37, %dma_wait3A_52] : memref<200000x128xf32, #tpu.memory_space<hbm>> -> memref<80x128xf32, #tpu.memory_space<hbm>>
        %dma_wait3A_54 = arith.constant 0 : i32
        %dma_wait3A_55 = tpu.memref_slice %arg6[%mul3A_37, %dma_wait3A_54] : memref<200000x128xf32, #tpu.memory_space<hbm>> -> memref<80x128xf32, #tpu.memory_space<hbm>>
        tpu.wait_dma2 semaphore(%run_scoped3A : memref<!tpu.dma_semaphore, #tpu.memory_space<semaphore_mem>>) src(%arg8 : memref<80x128xf32, #tpu.memory_space<vmem>>) dst(%dma_wait3A_55 : memref<80x128xf32, #tpu.memory_space<hbm>>)
        tpu.yield
      }) : () -> ()
    }
    return
  }
}

#map = affine_map<(d0, d1) -> (0, 0)>
#map1 = affine_map<(d0, d1) -> (0)>
#map2 = affine_map<(d0, d1) -> (0, 0, 0)>
module attributes {stable_mosaic.version = 14 : i64} {
  func.func @agg(%arg0: i32, %arg1: i32, %arg2: memref<10000x128xf32, #tpu.memory_space<hbm>>, %arg3: memref<320000xi32, #tpu.memory_space<hbm>>, %arg4: memref<320000xi32, #tpu.memory_space<hbm>>, %arg5: memref<10240x128xf32, #tpu.memory_space<hbm>>, %arg6: memref<2x10240x128xf32, #tpu.memory_space<hbm>>, %arg7: memref<80xi32, #tpu.memory_space<vmem>>, %arg8: memref<80xi32, #tpu.memory_space<vmem>>, %arg9: memref<80x128xf32, #tpu.memory_space<vmem>>, %arg10: memref<10240x128xf32, #tpu.memory_space<vmem_shared>>, %arg11: memref<!tpu.dma_semaphore, #tpu.memory_space<semaphore_mem>>) attributes {dimension_semantics = [#tpu.dimension_semantics<core_parallel>, #tpu.dimension_semantics<subcore_parallel>], iteration_bounds = array<i64: 2, 16>, scalar_prefetch = 0 : i64, scratch_operands = 5 : i64, tpu.core_type = #tpu.core_type<sc_vector_subcore>, window_params = [{transform_indices = #map}, {transform_indices = #map1}, {transform_indices = #map1}, {transform_indices = #map}, {transform_indices = #map2}]} {
    %mul3A = arith.constant 16 : i32
    %mul3A_0 = arith.muli %arg0, %mul3A : i32
    %add3A = arith.addi %mul3A_0, %arg1 : i32
    %mul3A_1 = arith.constant 640 : i32
    %mul3A_2 = arith.muli %arg1, %mul3A_1 : i32
    "tpu.region"() ({
      %run_scoped3A = tpu.sem_alloc : memref<!tpu.dma_semaphore, #tpu.memory_space<semaphore_mem>>
      %dma_start3A = arith.constant 0 : i32
      %dma_start3A_10 = tpu.memref_slice %arg10[%mul3A_2, %dma_start3A] : memref<10240x128xf32, #tpu.memory_space<vmem_shared>> -> memref<640x128xf32, #tpu.memory_space<vmem_shared>>
      %dma_start3A_11 = arith.constant 0 : i32
      %dma_start3A_12 = tpu.memref_slice %arg5[%mul3A_2, %dma_start3A_11] : memref<10240x128xf32, #tpu.memory_space<hbm>> -> memref<640x128xf32, #tpu.memory_space<hbm>>
      tpu.enqueue_dma source(%dma_start3A_12 : memref<640x128xf32, #tpu.memory_space<hbm>>) target(%dma_start3A_10 : memref<640x128xf32, #tpu.memory_space<vmem_shared>>) target_semaphore(%run_scoped3A : memref<!tpu.dma_semaphore, #tpu.memory_space<semaphore_mem>>)
      %dma_wait3A = arith.constant 0 : i32
      %dma_wait3A_13 = tpu.memref_slice %arg10[%mul3A_2, %dma_wait3A] : memref<10240x128xf32, #tpu.memory_space<vmem_shared>> -> memref<640x128xf32, #tpu.memory_space<vmem_shared>>
      %dma_wait3A_14 = arith.constant 0 : i32
      %dma_wait3A_15 = tpu.memref_slice %arg5[%mul3A_2, %dma_wait3A_14] : memref<10240x128xf32, #tpu.memory_space<hbm>> -> memref<640x128xf32, #tpu.memory_space<hbm>>
      tpu.wait_dma2 semaphore(%run_scoped3A : memref<!tpu.dma_semaphore, #tpu.memory_space<semaphore_mem>>) src(%dma_wait3A_15 : memref<640x128xf32, #tpu.memory_space<hbm>>) dst(%dma_wait3A_13 : memref<640x128xf32, #tpu.memory_space<vmem_shared>>)
      tpu.yield
    }) : () -> ()
    %barrier3A = arith.constant 0 : index
    tpu.barrier barrier_id(%barrier3A)
    %broadcast_in_dim3A = arith.constant 1.000000e+00 : f32
    %broadcast_in_dim3A_3 = vector.broadcast %broadcast_in_dim3A : f32 to vector<16xf32>
    %scan3A = arith.constant 0 : i32
    %scan3A_4 = arith.constant 0 : i32
    %scan3A_5 = arith.constant 125 : i32
    %scan3A_6 = arith.addi %scan3A_4, %scan3A_5 : i32
    %scan3A_7 = arith.constant 1 : i32
    scf.for %scan3A_10 = %scan3A_4 to %scan3A_6 step %scan3A_7  : i32 {
      %mul3A_11 = arith.constant 125 : i32
      %mul3A_12 = arith.muli %add3A, %mul3A_11 : i32
      %add3A_13 = arith.addi %mul3A_12, %scan3A_10 : i32
      %mul3A_14 = arith.constant 80 : i32
      %mul3A_15 = arith.muli %add3A_13, %mul3A_14 : i32
      "tpu.region"() ({
        %run_scoped3A = tpu.sem_alloc : memref<!tpu.dma_semaphore, #tpu.memory_space<semaphore_mem>>
        %dma_start3A_20 = tpu.memref_slice %arg3[%mul3A_15] : memref<320000xi32, #tpu.memory_space<hbm>> -> memref<80xi32, #tpu.memory_space<hbm>>
        %dma_start3A_21 = tpu.memref_slice %arg3[%mul3A_15] : memref<320000xi32, #tpu.memory_space<hbm>> -> memref<80xi32, #tpu.memory_space<hbm>>
        tpu.enqueue_dma source(%dma_start3A_21 : memref<80xi32, #tpu.memory_space<hbm>>) target(%arg7 : memref<80xi32, #tpu.memory_space<vmem>>) target_semaphore(%run_scoped3A : memref<!tpu.dma_semaphore, #tpu.memory_space<semaphore_mem>>)
        %dma_wait3A_22 = tpu.memref_slice %arg3[%mul3A_15] : memref<320000xi32, #tpu.memory_space<hbm>> -> memref<80xi32, #tpu.memory_space<hbm>>
        %dma_wait3A_23 = tpu.memref_slice %arg3[%mul3A_15] : memref<320000xi32, #tpu.memory_space<hbm>> -> memref<80xi32, #tpu.memory_space<hbm>>
        tpu.wait_dma2 semaphore(%run_scoped3A : memref<!tpu.dma_semaphore, #tpu.memory_space<semaphore_mem>>) src(%dma_wait3A_23 : memref<80xi32, #tpu.memory_space<hbm>>) dst(%arg7 : memref<80xi32, #tpu.memory_space<vmem>>)
        tpu.yield
      }) : () -> ()
      "tpu.region"() ({
        %run_scoped3A = tpu.sem_alloc : memref<!tpu.dma_semaphore, #tpu.memory_space<semaphore_mem>>
        %dma_start3A_20 = tpu.memref_slice %arg4[%mul3A_15] : memref<320000xi32, #tpu.memory_space<hbm>> -> memref<80xi32, #tpu.memory_space<hbm>>
        %dma_start3A_21 = tpu.memref_slice %arg4[%mul3A_15] : memref<320000xi32, #tpu.memory_space<hbm>> -> memref<80xi32, #tpu.memory_space<hbm>>
        tpu.enqueue_dma source(%dma_start3A_21 : memref<80xi32, #tpu.memory_space<hbm>>) target(%arg8 : memref<80xi32, #tpu.memory_space<vmem>>) target_semaphore(%run_scoped3A : memref<!tpu.dma_semaphore, #tpu.memory_space<semaphore_mem>>)
        %dma_wait3A_22 = tpu.memref_slice %arg4[%mul3A_15] : memref<320000xi32, #tpu.memory_space<hbm>> -> memref<80xi32, #tpu.memory_space<hbm>>
        %dma_wait3A_23 = tpu.memref_slice %arg4[%mul3A_15] : memref<320000xi32, #tpu.memory_space<hbm>> -> memref<80xi32, #tpu.memory_space<hbm>>
        tpu.wait_dma2 semaphore(%run_scoped3A : memref<!tpu.dma_semaphore, #tpu.memory_space<semaphore_mem>>) src(%dma_wait3A_23 : memref<80xi32, #tpu.memory_space<hbm>>) dst(%arg8 : memref<80xi32, #tpu.memory_space<vmem>>)
        tpu.yield
      }) : () -> ()
      %dma_start3A = arith.constant 0 : i32
      %dma_start3A_16 = arith.constant 0 : i32
      %dma_start3A_17 = tpu.memref_slice %arg2[%dma_start3A, %dma_start3A_16] : memref<10000x128xf32, #tpu.memory_space<hbm>> -> memref<10000x128xf32, #tpu.memory_space<hbm>>
      tpu.enqueue_indirect_dma source(%dma_start3A_17 : memref<10000x128xf32, #tpu.memory_space<hbm>>) target(%arg9 : memref<80x128xf32, #tpu.memory_space<vmem>>) offsets(%arg7 : memref<80xi32, #tpu.memory_space<vmem>>) semaphore(%arg11 : memref<!tpu.dma_semaphore, #tpu.memory_space<semaphore_mem>>)
      %dma_wait3A = arith.constant 0 : i32
      %dma_wait3A_18 = arith.constant 0 : i32
      %dma_wait3A_19 = tpu.memref_slice %arg2[%dma_wait3A, %dma_wait3A_18] : memref<10000x128xf32, #tpu.memory_space<hbm>> -> memref<10000x128xf32, #tpu.memory_space<hbm>>
      tpu.wait_indirect_dma semaphore(%arg11 : memref<!tpu.dma_semaphore, #tpu.memory_space<semaphore_mem>>) src(%dma_wait3A_19 : memref<10000x128xf32, #tpu.memory_space<hbm>>) dst(%arg9 : memref<80x128xf32, #tpu.memory_space<vmem>>)
      "tpu.region"() ({
        %run_scoped3A = tpu.sem_alloc : memref<!tpu.dma_semaphore, #tpu.memory_space<semaphore_mem>>
        %dma_start3A_20 = arith.constant 0 : i32
        %dma_start3A_21 = arith.constant 0 : i32
        %dma_start3A_22 = tpu.memref_slice %arg10[%dma_start3A_20, %dma_start3A_21] : memref<10240x128xf32, #tpu.memory_space<vmem_shared>> -> memref<10240x128xf32, #tpu.memory_space<vmem_shared>>
        tpu.enqueue_indirect_dma source(%arg9 : memref<80x128xf32, #tpu.memory_space<vmem>>) target(%dma_start3A_22 : memref<10240x128xf32, #tpu.memory_space<vmem_shared>>) offsets(%arg8 : memref<80xi32, #tpu.memory_space<vmem>>) semaphore(%run_scoped3A : memref<!tpu.dma_semaphore, #tpu.memory_space<semaphore_mem>>) {add = true}
        %dma_wait3A_23 = arith.constant 0 : i32
        %dma_wait3A_24 = arith.constant 0 : i32
        %dma_wait3A_25 = tpu.memref_slice %arg10[%dma_wait3A_23, %dma_wait3A_24] : memref<10240x128xf32, #tpu.memory_space<vmem_shared>> -> memref<10240x128xf32, #tpu.memory_space<vmem_shared>>
        tpu.wait_indirect_dma semaphore(%run_scoped3A : memref<!tpu.dma_semaphore, #tpu.memory_space<semaphore_mem>>) src(%arg9 : memref<80x128xf32, #tpu.memory_space<vmem>>) dst(%dma_wait3A_25 : memref<10240x128xf32, #tpu.memory_space<vmem_shared>>)
        tpu.yield
      }) : () -> ()
    }
    %scan3A_8 = arith.constant 125 : i32
    %barrier3A_9 = arith.constant 0 : index
    tpu.barrier barrier_id(%barrier3A_9)
    "tpu.region"() ({
      %run_scoped3A = tpu.sem_alloc : memref<!tpu.dma_semaphore, #tpu.memory_space<semaphore_mem>>
      %dma_start3A = arith.constant 0 : i32
      %dma_start3A_10 = tpu.memref_slice %arg6[%arg0, %mul3A_2, %dma_start3A] : memref<2x10240x128xf32, #tpu.memory_space<hbm>> -> memref<1x640x128xf32, #tpu.memory_space<hbm>>
      %dma_start3A_11 = tpu.memref_squeeze %dma_start3A_10 : memref<1x640x128xf32, #tpu.memory_space<hbm>> -> memref<640x128xf32, #tpu.memory_space<hbm>>
      %dma_start3A_12 = arith.constant 0 : i32
      %dma_start3A_13 = tpu.memref_slice %arg10[%mul3A_2, %dma_start3A_12] : memref<10240x128xf32, #tpu.memory_space<vmem_shared>> -> memref<640x128xf32, #tpu.memory_space<vmem_shared>>
      tpu.enqueue_dma source(%dma_start3A_13 : memref<640x128xf32, #tpu.memory_space<vmem_shared>>) target(%dma_start3A_11 : memref<640x128xf32, #tpu.memory_space<hbm>>) target_semaphore(%run_scoped3A : memref<!tpu.dma_semaphore, #tpu.memory_space<semaphore_mem>>)
      %dma_wait3A = arith.constant 0 : i32
      %dma_wait3A_14 = tpu.memref_slice %arg6[%arg0, %mul3A_2, %dma_wait3A] : memref<2x10240x128xf32, #tpu.memory_space<hbm>> -> memref<1x640x128xf32, #tpu.memory_space<hbm>>
      %dma_wait3A_15 = tpu.memref_squeeze %dma_wait3A_14 : memref<1x640x128xf32, #tpu.memory_space<hbm>> -> memref<640x128xf32, #tpu.memory_space<hbm>>
      %dma_wait3A_16 = arith.constant 0 : i32
      %dma_wait3A_17 = tpu.memref_slice %arg10[%mul3A_2, %dma_wait3A_16] : memref<10240x128xf32, #tpu.memory_space<vmem_shared>> -> memref<640x128xf32, #tpu.memory_space<vmem_shared>>
      tpu.wait_dma2 semaphore(%run_scoped3A : memref<!tpu.dma_semaphore, #tpu.memory_space<semaphore_mem>>) src(%dma_wait3A_17 : memref<640x128xf32, #tpu.memory_space<vmem_shared>>) dst(%dma_wait3A_15 : memref<640x128xf32, #tpu.memory_space<hbm>>)
      tpu.yield
    }) : () -> ()
    return
  }
}

module attributes {stable_mosaic.version = 14 : i64} {
  func.func @_post1_body(%arg0: i32, %arg1: memref<2x2000x128xf32, #tpu.memory_space<vmem>>, %arg2: memref<2x2000x1xf32, #tpu.memory_space<vmem>>, %arg3: memref<2000x128xf32, #tpu.memory_space<vmem>>, %arg4: memref<128x128xf32, #tpu.memory_space<vmem>>, %arg5: memref<128x128xf32, #tpu.memory_space<vmem>>, %arg6: memref<1x128xf32, #tpu.memory_space<vmem>>, %arg7: memref<2000x128xf32, #tpu.memory_space<vmem>>) attributes {dimension_semantics = [#tpu.dimension_semantics<parallel>], iteration_bounds = array<i64: 5>, scalar_prefetch = 0 : i64, scratch_operands = 0 : i64, tpu.core_type = #tpu.core_type<tc>, window_params = [{transform_indices = @transform_0, window_bounds = array<i64: 2, 2000, 128>}, {transform_indices = @transform_1, window_bounds = array<i64: 2, 2000, 1>}, {transform_indices = @transform_2, window_bounds = array<i64: 2000, 128>}, {pipeline_mode = #tpu.pipeline_mode<synchronous>, transform_indices = @transform_3, window_bounds = array<i64: 128, 128>}, {pipeline_mode = #tpu.pipeline_mode<synchronous>, transform_indices = @transform_4, window_bounds = array<i64: 128, 128>}, {pipeline_mode = #tpu.pipeline_mode<synchronous>, transform_indices = @transform_5, window_bounds = array<i64: 1, 128>}, {transform_indices = @transform_6, window_bounds = array<i64: 2000, 128>}]} {
    %get3A = arith.constant 0 : index
    %get3A_0 = arith.constant 0 : index
    %get3A_1 = arith.constant 0 : index
    %get3A_2 = vector.load %arg1[%get3A, %get3A_0, %get3A_1] : memref<2x2000x128xf32, #tpu.memory_space<vmem>>, vector<1x2000x128xf32>
    %get3A_3 = vector.shape_cast %get3A_2 : vector<1x2000x128xf32> to vector<2000x128xf32>
    %get3A_4 = arith.constant 1 : index
    %get3A_5 = arith.constant 0 : index
    %get3A_6 = arith.constant 0 : index
    %get3A_7 = vector.load %arg1[%get3A_4, %get3A_5, %get3A_6] : memref<2x2000x128xf32, #tpu.memory_space<vmem>>, vector<1x2000x128xf32>
    %get3A_8 = vector.shape_cast %get3A_7 : vector<1x2000x128xf32> to vector<2000x128xf32>
    %add3A = arith.addf %get3A_3, %get3A_8 : vector<2000x128xf32>
    %get3A_9 = arith.constant 0 : index
    %get3A_10 = arith.constant 0 : index
    %get3A_11 = arith.constant 0 : index
    %get3A_12 = vector.load %arg2[%get3A_9, %get3A_10, %get3A_11] : memref<2x2000x1xf32, #tpu.memory_space<vmem>>, vector<1x2000x1xf32>
    %get3A_13 = vector.shape_cast %get3A_12 : vector<1x2000x1xf32> to vector<2000x1xf32>
    %get3A_14 = arith.constant 1 : index
    %get3A_15 = arith.constant 0 : index
    %get3A_16 = arith.constant 0 : index
    %get3A_17 = vector.load %arg2[%get3A_14, %get3A_15, %get3A_16] : memref<2x2000x1xf32, #tpu.memory_space<vmem>>, vector<1x2000x1xf32>
    %get3A_18 = vector.shape_cast %get3A_17 : vector<1x2000x1xf32> to vector<2000x1xf32>
    %add3A_19 = arith.addf %get3A_13, %get3A_18 : vector<2000x1xf32>
    %max3A = arith.constant 1.000000e+00 : f32
    %max3A_20 = vector.broadcast %max3A : f32 to vector<2000x1xf32>
    %max3A_21 = arith.maximumf %add3A_19, %max3A_20 : vector<2000x1xf32>
    %get3A_22 = arith.constant 0 : index
    %get3A_23 = arith.constant 0 : index
    %get3A_24 = vector.load %arg4[%get3A_22, %get3A_23] : memref<128x128xf32, #tpu.memory_space<vmem>>, vector<128x128xf32>
    %dot_general3A = arith.constant dense<0.000000e+00> : vector<2000x128xf32>
    %dot_general3A_25 = tpu.matmul %add3A, %get3A_24, %dot_general3A {dimension_numbers = #tpu.dot_dimension_numbers<[1], [1], [0], [0], [0, 0, 1, 0], [], []>, transpose_lhs_hint = false} : vector<2000x128xf32>, vector<128x128xf32>, vector<2000x128xf32> -> vector<2000x128xf32>
    %div3A = vector.broadcast %max3A_21 : vector<2000x1xf32> to vector<2000x128xf32>
    %div3A_26 = arith.divf %dot_general3A_25, %div3A : vector<2000x128xf32>
    %get3A_27 = arith.constant 0 : index
    %get3A_28 = arith.constant 0 : index
    %get3A_29 = vector.load %arg3[%get3A_27, %get3A_28] : memref<2000x128xf32, #tpu.memory_space<vmem>>, vector<2000x128xf32>
    %get3A_30 = arith.constant 0 : index
    %get3A_31 = arith.constant 0 : index
    %get3A_32 = vector.load %arg5[%get3A_30, %get3A_31] : memref<128x128xf32, #tpu.memory_space<vmem>>, vector<128x128xf32>
    %dot_general3A_33 = arith.constant dense<0.000000e+00> : vector<2000x128xf32>
    %dot_general3A_34 = tpu.matmul %get3A_29, %get3A_32, %dot_general3A_33 {dimension_numbers = #tpu.dot_dimension_numbers<[1], [1], [0], [0], [0, 0, 1, 0], [], []>, transpose_lhs_hint = false} : vector<2000x128xf32>, vector<128x128xf32>, vector<2000x128xf32> -> vector<2000x128xf32>
    %add3A_35 = arith.addf %div3A_26, %dot_general3A_34 : vector<2000x128xf32>
    %get3A_36 = arith.constant 0 : index
    %get3A_37 = arith.constant 0 : index
    %get3A_38 = vector.load %arg6[%get3A_36, %get3A_37] : memref<1x128xf32, #tpu.memory_space<vmem>>, vector<1x128xf32>
    %add3A_39 = vector.broadcast %get3A_38 : vector<1x128xf32> to vector<2000x128xf32>
    %add3A_40 = arith.addf %add3A_35, %add3A_39 : vector<2000x128xf32>
    %max3A_41 = arith.constant 0.000000e+00 : f32
    %max3A_42 = vector.broadcast %max3A_41 : f32 to vector<2000x128xf32>
    %max3A_43 = arith.maximumf %add3A_40, %max3A_42 : vector<2000x128xf32>
    %swap3A = arith.constant 0 : index
    %swap3A_44 = arith.constant 0 : index
    %swap3A_45 = vector.load %arg7[%swap3A, %swap3A_44] : memref<2000x128xf32, #tpu.memory_space<vmem>>, vector<2000x128xf32>
    tpu.vector_store %arg7[%swap3A, %swap3A_44], %max3A_43 {strides = array<i32>} : memref<2000x128xf32, #tpu.memory_space<vmem>>, vector<2000x128xf32>,
    return
  }
  func.func @transform_0(%arg0: i32) -> (i32, i32, i32) {
    %c0_i32 = arith.constant 0 : i32
    %c0_i32_0 = arith.constant 0 : i32
    %c0_i32_1 = arith.constant 0 : i32
    return %c0_i32, %arg0, %c0_i32_0 : i32, i32, i32
  }
  func.func @transform_1(%arg0: i32) -> (i32, i32, i32) {
    %c0_i32 = arith.constant 0 : i32
    %c0_i32_0 = arith.constant 0 : i32
    %c0_i32_1 = arith.constant 0 : i32
    return %c0_i32, %arg0, %c0_i32_0 : i32, i32, i32
  }
  func.func @transform_2(%arg0: i32) -> (i32, i32) {
    %c0_i32 = arith.constant 0 : i32
    %c0_i32_0 = arith.constant 0 : i32
    return %arg0, %c0_i32 : i32, i32
  }
  func.func @transform_3(%arg0: i32) -> (i32, i32) {
    %c0_i32 = arith.constant 0 : i32
    %c0_i32_0 = arith.constant 0 : i32
    %c0_i32_1 = arith.constant 0 : i32
    return %c0_i32, %c0_i32_0 : i32, i32
  }
  func.func @transform_4(%arg0: i32) -> (i32, i32) {
    %c0_i32 = arith.constant 0 : i32
    %c0_i32_0 = arith.constant 0 : i32
    %c0_i32_1 = arith.constant 0 : i32
    return %c0_i32, %c0_i32_0 : i32, i32
  }
  func.func @transform_5(%arg0: i32) -> (i32, i32) {
    %c0_i32 = arith.constant 0 : i32
    %c0_i32_0 = arith.constant 0 : i32
    %c0_i32_1 = arith.constant 0 : i32
    return %c0_i32, %c0_i32_0 : i32, i32
  }
  func.func @transform_6(%arg0: i32) -> (i32, i32) {
    %c0_i32 = arith.constant 0 : i32
    %c0_i32_0 = arith.constant 0 : i32
    return %arg0, %c0_i32 : i32, i32
  }
}

module attributes {stable_mosaic.version = 14 : i64} {
  func.func @_post2_body(%arg0: i32, %arg1: memref<2x2000x128xf32, #tpu.memory_space<vmem>>, %arg2: memref<2x2000x1xf32, #tpu.memory_space<vmem>>, %arg3: memref<2000x128xf32, #tpu.memory_space<vmem>>, %arg4: memref<128x128xf32, #tpu.memory_space<vmem>>, %arg5: memref<128x128xf32, #tpu.memory_space<vmem>>, %arg6: memref<1x128xf32, #tpu.memory_space<vmem>>, %arg7: memref<2000x128xf32, #tpu.memory_space<vmem>>) attributes {dimension_semantics = [#tpu.dimension_semantics<parallel>], iteration_bounds = array<i64: 5>, scalar_prefetch = 0 : i64, scratch_operands = 0 : i64, tpu.core_type = #tpu.core_type<tc>, window_params = [{transform_indices = @transform_0, window_bounds = array<i64: 2, 2000, 128>}, {transform_indices = @transform_1, window_bounds = array<i64: 2, 2000, 1>}, {transform_indices = @transform_2, window_bounds = array<i64: 2000, 128>}, {pipeline_mode = #tpu.pipeline_mode<synchronous>, transform_indices = @transform_3, window_bounds = array<i64: 128, 128>}, {pipeline_mode = #tpu.pipeline_mode<synchronous>, transform_indices = @transform_4, window_bounds = array<i64: 128, 128>}, {pipeline_mode = #tpu.pipeline_mode<synchronous>, transform_indices = @transform_5, window_bounds = array<i64: 1, 128>}, {transform_indices = @transform_6, window_bounds = array<i64: 2000, 128>}]} {
    %get3A = arith.constant 0 : index
    %get3A_0 = arith.constant 0 : index
    %get3A_1 = arith.constant 0 : index
    %get3A_2 = vector.load %arg1[%get3A, %get3A_0, %get3A_1] : memref<2x2000x128xf32, #tpu.memory_space<vmem>>, vector<1x2000x128xf32>
    %get3A_3 = vector.shape_cast %get3A_2 : vector<1x2000x128xf32> to vector<2000x128xf32>
    %get3A_4 = arith.constant 1 : index
    %get3A_5 = arith.constant 0 : index
    %get3A_6 = arith.constant 0 : index
    %get3A_7 = vector.load %arg1[%get3A_4, %get3A_5, %get3A_6] : memref<2x2000x128xf32, #tpu.memory_space<vmem>>, vector<1x2000x128xf32>
    %get3A_8 = vector.shape_cast %get3A_7 : vector<1x2000x128xf32> to vector<2000x128xf32>
    %add3A = arith.addf %get3A_3, %get3A_8 : vector<2000x128xf32>
    %get3A_9 = arith.constant 0 : index
    %get3A_10 = arith.constant 0 : index
    %get3A_11 = arith.constant 0 : index
    %get3A_12 = vector.load %arg2[%get3A_9, %get3A_10, %get3A_11] : memref<2x2000x1xf32, #tpu.memory_space<vmem>>, vector<1x2000x1xf32>
    %get3A_13 = vector.shape_cast %get3A_12 : vector<1x2000x1xf32> to vector<2000x1xf32>
    %get3A_14 = arith.constant 1 : index
    %get3A_15 = arith.constant 0 : index
    %get3A_16 = arith.constant 0 : index
    %get3A_17 = vector.load %arg2[%get3A_14, %get3A_15, %get3A_16] : memref<2x2000x1xf32, #tpu.memory_space<vmem>>, vector<1x2000x1xf32>
    %get3A_18 = vector.shape_cast %get3A_17 : vector<1x2000x1xf32> to vector<2000x1xf32>
    %add3A_19 = arith.addf %get3A_13, %get3A_18 : vector<2000x1xf32>
    %max3A = arith.constant 1.000000e+00 : f32
    %max3A_20 = vector.broadcast %max3A : f32 to vector<2000x1xf32>
    %max3A_21 = arith.maximumf %add3A_19, %max3A_20 : vector<2000x1xf32>
    %get3A_22 = arith.constant 0 : index
    %get3A_23 = arith.constant 0 : index
    %get3A_24 = vector.load %arg4[%get3A_22, %get3A_23] : memref<128x128xf32, #tpu.memory_space<vmem>>, vector<128x128xf32>
    %dot_general3A = arith.constant dense<0.000000e+00> : vector<2000x128xf32>
    %dot_general3A_25 = tpu.matmul %add3A, %get3A_24, %dot_general3A {dimension_numbers = #tpu.dot_dimension_numbers<[1], [1], [0], [0], [0, 0, 1, 0], [], []>, transpose_lhs_hint = false} : vector<2000x128xf32>, vector<128x128xf32>, vector<2000x128xf32> -> vector<2000x128xf32>
    %div3A = vector.broadcast %max3A_21 : vector<2000x1xf32> to vector<2000x128xf32>
    %div3A_26 = arith.divf %dot_general3A_25, %div3A : vector<2000x128xf32>
    %get3A_27 = arith.constant 0 : index
    %get3A_28 = arith.constant 0 : index
    %get3A_29 = vector.load %arg3[%get3A_27, %get3A_28] : memref<2000x128xf32, #tpu.memory_space<vmem>>, vector<2000x128xf32>
    %get3A_30 = arith.constant 0 : index
    %get3A_31 = arith.constant 0 : index
    %get3A_32 = vector.load %arg5[%get3A_30, %get3A_31] : memref<128x128xf32, #tpu.memory_space<vmem>>, vector<128x128xf32>
    %dot_general3A_33 = arith.constant dense<0.000000e+00> : vector<2000x128xf32>
    %dot_general3A_34 = tpu.matmul %get3A_29, %get3A_32, %dot_general3A_33 {dimension_numbers = #tpu.dot_dimension_numbers<[1], [1], [0], [0], [0, 0, 1, 0], [], []>, transpose_lhs_hint = false} : vector<2000x128xf32>, vector<128x128xf32>, vector<2000x128xf32> -> vector<2000x128xf32>
    %add3A_35 = arith.addf %div3A_26, %dot_general3A_34 : vector<2000x128xf32>
    %get3A_36 = arith.constant 0 : index
    %get3A_37 = arith.constant 0 : index
    %get3A_38 = vector.load %arg6[%get3A_36, %get3A_37] : memref<1x128xf32, #tpu.memory_space<vmem>>, vector<1x128xf32>
    %add3A_39 = vector.broadcast %get3A_38 : vector<1x128xf32> to vector<2000x128xf32>
    %add3A_40 = arith.addf %add3A_35, %add3A_39 : vector<2000x128xf32>
    %swap3A = arith.constant 0 : index
    %swap3A_41 = arith.constant 0 : index
    %swap3A_42 = vector.load %arg7[%swap3A, %swap3A_41] : memref<2000x128xf32, #tpu.memory_space<vmem>>, vector<2000x128xf32>
    tpu.vector_store %arg7[%swap3A, %swap3A_41], %add3A_40 {strides = array<i32>} : memref<2000x128xf32, #tpu.memory_space<vmem>>, vector<2000x128xf32>,
    return
  }
  func.func @transform_0(%arg0: i32) -> (i32, i32, i32) {
    %c0_i32 = arith.constant 0 : i32
    %c0_i32_0 = arith.constant 0 : i32
    %c0_i32_1 = arith.constant 0 : i32
    return %c0_i32, %arg0, %c0_i32_0 : i32, i32, i32
  }
  func.func @transform_1(%arg0: i32) -> (i32, i32, i32) {
    %c0_i32 = arith.constant 0 : i32
    %c0_i32_0 = arith.constant 0 : i32
    %c0_i32_1 = arith.constant 0 : i32
    return %c0_i32, %arg0, %c0_i32_0 : i32, i32, i32
  }
  func.func @transform_2(%arg0: i32) -> (i32, i32) {
    %c0_i32 = arith.constant 0 : i32
    %c0_i32_0 = arith.constant 0 : i32
    return %arg0, %c0_i32 : i32, i32
  }
  func.func @transform_3(%arg0: i32) -> (i32, i32) {
    %c0_i32 = arith.constant 0 : i32
    %c0_i32_0 = arith.constant 0 : i32
    %c0_i32_1 = arith.constant 0 : i32
    return %c0_i32, %c0_i32_0 : i32, i32
  }
  func.func @transform_4(%arg0: i32) -> (i32, i32) {
    %c0_i32 = arith.constant 0 : i32
    %c0_i32_0 = arith.constant 0 : i32
    %c0_i32_1 = arith.constant 0 : i32
    return %c0_i32, %c0_i32_0 : i32, i32
  }
  func.func @transform_5(%arg0: i32) -> (i32, i32) {
    %c0_i32 = arith.constant 0 : i32
    %c0_i32_0 = arith.constant 0 : i32
    %c0_i32_1 = arith.constant 0 : i32
    return %c0_i32, %c0_i32_0 : i32, i32
  }
  func.func @transform_6(%arg0: i32) -> (i32, i32) {
    %c0_i32 = arith.constant 0 : i32
    %c0_i32_0 = arith.constant 0 : i32
    return %arg0, %c0_i32 : i32, i32
  }
}

module attributes {stable_mosaic.version = 14 : i64} {
  func.func @_decode_body(%arg0: i32, %arg1: memref<2000x128xf32, #tpu.memory_space<vmem>>, %arg2: memref<2000x128xf32, #tpu.memory_space<vmem>>, %arg3: memref<128x128xf32, #tpu.memory_space<vmem>>, %arg4: memref<1x128xf32, #tpu.memory_space<vmem>>, %arg5: memref<64x128xf32, #tpu.memory_space<vmem>>, %arg6: memref<1x64xf32, #tpu.memory_space<vmem>>, %arg7: memref<8x64xf32, #tpu.memory_space<vmem>>, %arg8: memref<1x1xf32, #tpu.memory_space<vmem>>, %arg9: memref<2000x8xf32, #tpu.memory_space<vmem>>) attributes {dimension_semantics = [#tpu.dimension_semantics<parallel>], iteration_bounds = array<i64: 100>, scalar_prefetch = 0 : i64, scratch_operands = 0 : i64, tpu.core_type = #tpu.core_type<tc>, window_params = [{transform_indices = @transform_0, window_bounds = array<i64: 2000, 128>}, {transform_indices = @transform_1, window_bounds = array<i64: 2000, 128>}, {pipeline_mode = #tpu.pipeline_mode<synchronous>, transform_indices = @transform_2, window_bounds = array<i64: 128, 128>}, {pipeline_mode = #tpu.pipeline_mode<synchronous>, transform_indices = @transform_3, window_bounds = array<i64: 1, 128>}, {pipeline_mode = #tpu.pipeline_mode<synchronous>, transform_indices = @transform_4, window_bounds = array<i64: 64, 128>}, {pipeline_mode = #tpu.pipeline_mode<synchronous>, transform_indices = @transform_5, window_bounds = array<i64: 1, 64>}, {pipeline_mode = #tpu.pipeline_mode<synchronous>, transform_indices = @transform_6, window_bounds = array<i64: 8, 64>}, {pipeline_mode = #tpu.pipeline_mode<synchronous>, transform_indices = @transform_7, window_bounds = array<i64: 1, 1>}, {transform_indices = @transform_8, window_bounds = array<i64: 2000, 8>}]} {
    %get3A = arith.constant 0 : index
    %get3A_0 = arith.constant 0 : index
    %get3A_1 = vector.load %arg1[%get3A, %get3A_0] : memref<2000x128xf32, #tpu.memory_space<vmem>>, vector<2000x128xf32>
    %get3A_2 = arith.constant 0 : index
    %get3A_3 = arith.constant 0 : index
    %get3A_4 = vector.load %arg2[%get3A_2, %get3A_3] : memref<2000x128xf32, #tpu.memory_space<vmem>>, vector<2000x128xf32>
    %mul3A = arith.mulf %get3A_1, %get3A_4 : vector<2000x128xf32>
    %get3A_5 = arith.constant 0 : index
    %get3A_6 = arith.constant 0 : index
    %get3A_7 = vector.load %arg3[%get3A_5, %get3A_6] : memref<128x128xf32, #tpu.memory_space<vmem>>, vector<128x128xf32>
    %dot_general3A = arith.constant dense<0.000000e+00> : vector<2000x128xf32>
    %dot_general3A_8 = tpu.matmul %mul3A, %get3A_7, %dot_general3A {dimension_numbers = #tpu.dot_dimension_numbers<[1], [1], [0], [0], [0, 0, 1, 0], [], []>, transpose_lhs_hint = false} : vector<2000x128xf32>, vector<128x128xf32>, vector<2000x128xf32> -> vector<2000x128xf32>
    %get3A_9 = arith.constant 0 : index
    %get3A_10 = arith.constant 0 : index
    %get3A_11 = vector.load %arg4[%get3A_9, %get3A_10] : memref<1x128xf32, #tpu.memory_space<vmem>>, vector<1x128xf32>
    %add3A = vector.broadcast %get3A_11 : vector<1x128xf32> to vector<2000x128xf32>
    %add3A_12 = arith.addf %dot_general3A_8, %add3A : vector<2000x128xf32>
    %max3A = arith.constant 0.000000e+00 : f32
    %max3A_13 = vector.broadcast %max3A : f32 to vector<2000x128xf32>
    %max3A_14 = arith.maximumf %add3A_12, %max3A_13 : vector<2000x128xf32>
    %get3A_15 = arith.constant 0 : index
    %get3A_16 = arith.constant 0 : index
    %get3A_17 = vector.load %arg5[%get3A_15, %get3A_16] : memref<64x128xf32, #tpu.memory_space<vmem>>, vector<64x128xf32>
    %dot_general3A_18 = arith.constant dense<0.000000e+00> : vector<2000x64xf32>
    %dot_general3A_19 = tpu.matmul %max3A_14, %get3A_17, %dot_general3A_18 {dimension_numbers = #tpu.dot_dimension_numbers<[1], [1], [0], [0], [0, 0, 1, 0], [], []>, transpose_lhs_hint = false} : vector<2000x128xf32>, vector<64x128xf32>, vector<2000x64xf32> -> vector<2000x64xf32>
    %get3A_20 = arith.constant 0 : index
    %get3A_21 = arith.constant 0 : index
    %get3A_22 = vector.load %arg6[%get3A_20, %get3A_21] : memref<1x64xf32, #tpu.memory_space<vmem>>, vector<1x64xf32>
    %add3A_23 = vector.broadcast %get3A_22 : vector<1x64xf32> to vector<2000x64xf32>
    %add3A_24 = arith.addf %dot_general3A_19, %add3A_23 : vector<2000x64xf32>
    %max3A_25 = arith.constant 0.000000e+00 : f32
    %max3A_26 = vector.broadcast %max3A_25 : f32 to vector<2000x64xf32>
    %max3A_27 = arith.maximumf %add3A_24, %max3A_26 : vector<2000x64xf32>
    %get3A_28 = arith.constant 0 : index
    %get3A_29 = arith.constant 0 : index
    %get3A_30 = vector.load %arg7[%get3A_28, %get3A_29] : memref<8x64xf32, #tpu.memory_space<vmem>>, vector<8x64xf32>
    %dot_general3A_31 = arith.constant dense<0.000000e+00> : vector<2000x8xf32>
    %dot_general3A_32 = tpu.matmul %max3A_27, %get3A_30, %dot_general3A_31 {dimension_numbers = #tpu.dot_dimension_numbers<[1], [1], [0], [0], [0, 0, 1, 0], [], []>, transpose_lhs_hint = false} : vector<2000x64xf32>, vector<8x64xf32>, vector<2000x8xf32> -> vector<2000x8xf32>
    %get3A_33 = arith.constant 0 : index
    %get3A_34 = arith.constant 0 : index
    %get3A_35 = vector.load %arg8[%get3A_33, %get3A_34] : memref<1x1xf32, #tpu.memory_space<vmem>>, vector<1x1xf32>
    %get3A_36 = vector.extract %get3A_35[0, 0] : f32 from vector<1x1xf32>
    %add3A_37 = vector.broadcast %get3A_36 : f32 to vector<2000x8xf32>
    %add3A_38 = arith.addf %dot_general3A_32, %add3A_37 : vector<2000x8xf32>
    %swap3A = arith.constant 0 : index
    %swap3A_39 = arith.constant 0 : index
    %swap3A_40 = vector.load %arg9[%swap3A, %swap3A_39] : memref<2000x8xf32, #tpu.memory_space<vmem>>, vector<2000x8xf32>
    tpu.vector_store %arg9[%swap3A, %swap3A_39], %add3A_38 {strides = array<i32>} : memref<2000x8xf32, #tpu.memory_space<vmem>>, vector<2000x8xf32>,
    return
  }
  func.func @transform_0(%arg0: i32) -> (i32, i32) {
    %c0_i32 = arith.constant 0 : i32
    %c0_i32_0 = arith.constant 0 : i32
    return %arg0, %c0_i32 : i32, i32
  }
  func.func @transform_1(%arg0: i32) -> (i32, i32) {
    %c0_i32 = arith.constant 0 : i32
    %c0_i32_0 = arith.constant 0 : i32
    return %arg0, %c0_i32 : i32, i32
  }
  func.func @transform_2(%arg0: i32) -> (i32, i32) {
    %c0_i32 = arith.constant 0 : i32
    %c0_i32_0 = arith.constant 0 : i32
    %c0_i32_1 = arith.constant 0 : i32
    return %c0_i32, %c0_i32_0 : i32, i32
  }
  func.func @transform_3(%arg0: i32) -> (i32, i32) {
    %c0_i32 = arith.constant 0 : i32
    %c0_i32_0 = arith.constant 0 : i32
    %c0_i32_1 = arith.constant 0 : i32
    return %c0_i32, %c0_i32_0 : i32, i32
  }
  func.func @transform_4(%arg0: i32) -> (i32, i32) {
    %c0_i32 = arith.constant 0 : i32
    %c0_i32_0 = arith.constant 0 : i32
    %c0_i32_1 = arith.constant 0 : i32
    return %c0_i32, %c0_i32_0 : i32, i32
  }
  func.func @transform_5(%arg0: i32) -> (i32, i32) {
    %c0_i32 = arith.constant 0 : i32
    %c0_i32_0 = arith.constant 0 : i32
    %c0_i32_1 = arith.constant 0 : i32
    return %c0_i32, %c0_i32_0 : i32, i32
  }
  func.func @transform_6(%arg0: i32) -> (i32, i32) {
    %c0_i32 = arith.constant 0 : i32
    %c0_i32_0 = arith.constant 0 : i32
    %c0_i32_1 = arith.constant 0 : i32
    return %c0_i32, %c0_i32_0 : i32, i32
  }
  func.func @transform_7(%arg0: i32) -> (i32, i32) {
    %c0_i32 = arith.constant 0 : i32
    %c0_i32_0 = arith.constant 0 : i32
    %c0_i32_1 = arith.constant 0 : i32
    return %c0_i32, %c0_i32_0 : i32, i32
  }
  func.func @transform_8(%arg0: i32) -> (i32, i32) {
    %c0_i32 = arith.constant 0 : i32
    %c0_i32_0 = arith.constant 0 : i32
    return %arg0, %c0_i32 : i32, i32
  }
}

</mosaic_0001>

<sc_bundles>
// kernel: kernel.11.cloned.1.call-start
scs
__scs_entry_jumppad:
0x0: {  	(pc) =	sbr.rel $0x88, $3  }
0x1: {  	(tag) =	ssettag $0x0;
	lr =	simm.s32 $0x1  }
0x2: {  	[smem:$0x3F92] =	sst lr;
	_ =	strace $0xD0000000  }
0x3: {  	_ = 	snop  }
0x4: {  	_ = 	snop  }
0x5: {  	_ = 	snop  }
0x6: {  	_ = 	snop  }
0x7: {  	_ = 	snop  }
__scs_overlays_trampoline_lowered:
0x8: {  	[smem:$0x3FA1] =	sst s0  }
0x9: {  	[smem:$0x3FA2] =	sst s1  }
0xa: {  	[smem:$0x3FA3] =	sst s2  }
0xb: {  	[smem:$0x3FA4] =	sst s3  }
0xc: {  	[smem:$0x3FA5] =	sst s4  }
0xd: {  	[smem:$0x3FA6] =	sst s5  }
0xe: {  	[smem:$0x3FA7] =	sst s6  }
0xf: {  	[smem:$0x3FA8] =	sst s7  }
0x10: {  	[smem:$0x3FA9] =	sst s8  }
0x11: {  	[smem:$0x3FAA] =	sst s9;
	s0 =	simm.s32 @!p0 $0x0  }
0x12: {  	s1 =	sld [smem:$0x3F90];
	s0 =	simm.s32 @p0 $0x1  }
0x13: {  	[smem:$0x3FAB] =	sst s0;
	s0 =	simm.s32 @!p1 $0x0  }
0x14: {  	s2 =	sld [smem:$0x3F8F];
	s0 =	simm.s32 @p1 $0x1  }
0x15: {  	[smem:$0x3FAC] =	sst s0;
	s0 =	simm.s32 @!p2 $0x0  }
0x16: {  	s3 =	sld [smem:$0x3FDB];
	s0 =	simm.s32 @p2 $0x1  }
0x17: {  	s4 =	simm.s32 $0x1BF5;
	[smem:$0x3FAE] =	sst s0  }
0x18: {  	s0 =	sld [smem:$0x3F91];
	_ =	swait.ge [sflag:s4], $0x0  }
0x19: {  	s7 =	sld [smem:$0x3F92]  }
0x1a: {  	s8 =	sadd.s32 $0xFFFFE003, lr  }
0x1b: {  	s9 =	sadd.s32 $0xFFFFFEF7, lr;
	s5 =	simm.s32 $0xFFFFFFFF;
	p2 =	slt.u32 s8, $0xFFFFF086  }
0x1c: {  	p1 =	slt.u32 s9, $0xF7A;
	s5 =	simm.s32 @!p2 $0x0  }
0x1d: {  	s5 =	simm.s32 @p1 $0x1;
	p0 =	seq.s32 s7, s2  }
0x1e: {  	s7 =	smul.u32 @!p0 $0xF7A, s2;
	p2 =	seq.s32 @!p0 s5, $0x0  }
0x1f: {  	s9 =	smul.u32 $0xF7A, s1;
	s8 =	simm.s32 @!p0 $0x1BF5;
	p2 =	por !p2, p0  }
0x20: {  	[sflag:s8] =	ssyncset.s32 @!p0 $0xFFFFF086;
	s6 =	sadd.s32 @!p0 s3, s7;
	s7 =	simm.s32 @!p0 $0x108  }
0x21: {  	s3 =	sadd.s32 s3, s9;
	s6 =	sadd.s32 @!p0 $0x88, s6;
	s7 =	simm.s32 @p2 $0x1082  }
0x22: {  	[simem:s7], [sflag:s8] =	dma.local @!p0 [hbm:s6], $0xF7A  }
0x23: {  	s9 =	sor.u32 $0xD0000000, s2;
	s6 =	simm.s32 $0x108;
	_ =	swait.ge @!p0 [sflag:s8], $0x0  }
0x24: {  	s3 =	sadd.s32 $0x88, s3;
	s6 =	simm.s32 @!p1 $0x1082;
	[sflag:s4] =	ssyncset.s32 $0xFFFFF086  }
0x25: {  	[simem:s6], [sflag:s4] =	dma.local [hbm:s3], $0xF7A  }
0x26: {  	[smem:$0x3F92] =	sst s1;
	(tag) =	ssettag s2;
	_ =	strace s9  }
0x27: {  	s1 =	sld [smem:$0x3FA2]  }
0x28: {  	s2 =	sld [smem:$0x3FA3]  }
0x29: {  	s4 =	sld [smem:$0x3FA5]  }
0x2a: {  	p0 =	seq.s32 s5, $0x0;
	s5 =	sld [smem:$0x3FA6]  }
0x2b: {  	s6 =	sld [smem:$0x3FA7]  }
0x2c: {  	s7 =	sld [smem:$0x3FA8]  }
0x2d: {  	s3 =	simm.s32 $0x108;
	s8 =	sld [smem:$0x3FA9]  }
0x2e: {  	s3 =	simm.s32 @!p0 $0x1082;
	s9 =	sld [smem:$0x3FAA]  }
0x2f: {  	lr =	sadd.s32 s0, s3;
	s0 =	sld [smem:$0x3FA1]  }
0x30: {  	s3 =	sld [smem:$0x3FA4]  }
0x31: {  	[smem:$0x3FAD] =	sst s10  }
0x32: {  	s10 =	sld [smem:$0x3FAB];
	_ =	sdelay $0x3  }
0x33: {  	p0 =	seq.s32 s10, $0x1;
	s10 =	sld [smem:$0x3FAD];
	_ =	sdelay $0x3  }
0x34: {  	[smem:$0x3FAD] =	sst s10  }
0x35: {  	s10 =	sld [smem:$0x3FAC];
	_ =	sdelay $0x3  }
0x36: {  	p1 =	seq.s32 s10, $0x1;
	s10 =	sld [smem:$0x3FAD];
	_ =	sdelay $0x3  }
0x37: {  	[smem:$0x3FAD] =	sst s10  }
0x38: {  	s10 =	sld [smem:$0x3FAE]  }
0x39: {  	_ = 	snop;
	(pc) =	sbr.ind lr, $3  }
0x3a: {  	_ = 	snop  }
0x3b: {  	_ = 	snop  }
0x3c: {  	p2 =	seq.s32 s10, $0x1;
	s10 =	sld [smem:$0x3FAD]  }
0x3d: {  	_ =	shalt  }
0x3e: {  	_ =	shalt  }
0x3f: {  	_ =	shalt  }
0x40: {  	_ =	shalt  }
0x41: {  	_ =	shalt  }
0x42: {  	_ =	shalt  }
0x43: {  	_ =	shalt  }
0x44: {  	_ =	shalt  }
0x45: {  	_ =	shalt  }
0x46: {  	_ =	shalt  }
0x47: {  	_ =	shalt  }
0x48: {  	_ =	shalt  }
0x49: {  	_ =	shalt  }
0x4a: {  	_ =	shalt  }
0x4b: {  	_ =	shalt  }
0x4c: {  	_ =	shalt  }
0x4d: {  	_ =	shalt  }
0x4e: {  	_ =	shalt  }
0x4f: {  	_ =	shalt  }
0x50: {  	_ =	shalt  }
0x51: {  	_ =	shalt  }
0x52: {  	_ =	shalt  }
0x53: {  	_ =	shalt  }
0x54: {  	_ =	shalt  }
0x55: {  	_ =	shalt  }
0x56: {  	_ =	shalt  }
0x57: {  	_ =	shalt  }
0x58: {  	_ =	shalt  }
0x59: {  	_ =	shalt  }
0x5a: {  	_ =	shalt  }
0x5b: {  	_ =	shalt  }
0x5c: {  	_ =	shalt  }
0x5d: {  	_ =	shalt  }
0x5e: {  	_ =	shalt  }
0x5f: {  	_ =	shalt  }
0x60: {  	_ =	shalt  }
0x61: {  	_ =	shalt  }
0x62: {  	_ =	shalt  }
0x63: {  	_ =	shalt  }
0x64: {  	_ =	shalt  }
0x65: {  	_ =	shalt  }
0x66: {  	_ =	shalt  }
0x67: {  	_ =	shalt  }
0x68: {  	_ =	shalt  }
0x69: {  	_ =	shalt  }
0x6a: {  	_ =	shalt  }
0x6b: {  	_ =	shalt  }
0x6c: {  	_ =	shalt  }
0x6d: {  	_ =	shalt  }
0x6e: {  	_ =	shalt  }
0x6f: {  	_ =	shalt  }
0x70: {  	_ =	shalt  }
0x71: {  	_ =	shalt  }
0x72: {  	_ =	shalt  }
0x73: {  	_ =	shalt  }
0x74: {  	_ =	shalt  }
0x75: {  	_ =	shalt  }
0x76: {  	_ =	shalt  }
0x77: {  	_ =	shalt  }
0x78: {  	_ =	shalt  }
0x79: {  	_ =	shalt  }
0x7a: {  	_ =	shalt  }
0x7b: {  	_ =	shalt  }
0x7c: {  	_ =	shalt  }
0x7d: {  	_ =	shalt  }
0x7e: {  	_ =	shalt  }
0x7f: {  	_ =	shalt  }
0x80: {  	_ =	shalt  }
0x81: {  	_ =	shalt  }
0x82: {  	_ =	shalt  }
0x83: {  	_ =	shalt  }
0x84: {  	_ =	shalt  }
0x85: {  	_ =	shalt  }
0x86: {  	_ =	shalt  }
0x87: {  	_ =	shalt  }
.Lfunc_end0:
.L_simem_size_0:
called_computation.1_lowered:
.L_overlay_start_0:
0x88: {  	s2 =	sld [smem:$0x3FD9]  }
0x89: {  	s3 =	sld [smem:$0x3FFE];
	_ =	sdelay $0x1  }
0x8a: {  	s1 =	srdreg.scid  }
0x8b: {  	s0 =	sand.u32 $0x1, s1  }
0x8c: {  	s16 =	sshll.u32 s0, $0xA;
	s2 =	sadd.s32 s3, s2  }
0x8d: {  	s2 =	sadd.s32 s2, s16  }
0x8e: {  	[smem:$0x3FB9] =	sst s2  }
0x8f: {  	_ = 	snop  }
0x90: {  	(tm) =	ssettm $0x1  }
0x91: {  	s17 =	sld [smem:$0x3FFB];
	_ =	sdelay $0x3  }
0x92: {  	_ =	strace s17  }
0x93: {  	s2 =	sld [smem:$0x3FFC];
	_ =	sdelay $0x3  }
0x94: {  	_ =	strace s2  }
0x95: {  	s2 =	sld [smem:$0x3FFD];
	_ =	sdelay $0x3  }
0x96: {  	_ =	strace s2  }
0x97: {  	_ =	strace $0x8FFFFFFF  }
0x98: {  	s18 =	sld [smem:$0x3FDB];
	_ =	sdelay $0x1  }
0x99: {  	s19 =	simm.s32 $_scs_section_size  }
0x9a: {  	s4 =	simm.s32 $_size__tile_overlayer_lowered;
	s5 =	simm.s32 $_tile_overlayer_lowered  }
0x9b: {  	s22 =	simm.s32 $0x1BFF;
	s21 =	sshll.u32 s5, $0x1;
	s2 =	sadd.s32 s19, s18  }
0x9c: {  	s6 =	simm.s32 $0x0;
	s20 =	sshll.u32 s4, $0x1;
	s4 =	sadd.s32 s21, s2  }
0x9d: {  	[timem:s6], [sflag:s22] =	dma.local [hbm:s4], s20  }
0x9e: {  	_ =	swait.ge [sflag:s22], s20  }
0x9f: {  	s3 =	ssub.s32 $0x0, s20;
	[sflag:s22] =	ssyncset.done $0x0  }
0xa0: {  	[sflag:s22] =	ssyncadd.s32 s3;
	_ =	sdelay $0x1  }
0xa1: {  	s23 =	simm.s32 $0x1B8B  }
0xa2: {  	_ =	swait.ge [sflag:s23], $0x1  }
0xa3: {  	[sflag:s23] =	ssyncset.done $0x0  }
0xa4: {  	s25 =	simm.s32 $0x1B8E;
	s24 =	sld [smem:$0x3FFE];
	[sflag:s23] =	ssyncadd.s32 $0xFFFFFFFF  }
0xa5: {  	s26 =	simm.s32 $execute0_lowered;
	[smem:$0x3FD2] =	sst s25  }
0xa6: {  	s4 =	sshll.u32 s26, $0x1;
	_ =	strace $0x80000049;
	[dreg:$0x1] =	wrdreg $0xFFFFFFFF  }
0xa7: {  	s28 =	simm.s32 $_size_execute0_lowered;
	s2 =	sadd.s32 s2, s4;
	[dreg:$0x0] =	wrdreg $0x0  }
0xa8: {  	s4 =	sshll.u32 s28, $0x1;
	[dreg:$0x2] =	wrdreg s2  }
0xa9: {  	[dreg:$0x3] =	wrdreg s4  }
0xaa: {  	[dreg:$0x4] =	wrdreg $0xC0  }
0xab: {  	_ =	task [dreg:s6], $0x5FFFF  }
0xac: {  	[dreg:$0x1] =	wrdreg $0xFFFFFFFF  }
0xad: {  	[dreg:$0x0] =	wrdreg $0x60  }
0xae: {  	[dreg:$0x2] =	wrdreg s24  }
0xaf: {  	[dreg:$0x3] =	wrdreg $0x29000  }
0xb0: {  	[dreg:$0x4] =	wrdreg $0x9  }
0xb1: {  	_ =	task.clear_ibuf [dreg:s6], $0x5FFFF;
	_ =	strace $0x90000049  }
0xb2: {  	s29 =	simm.s32 $0x9;
	_ =	strace $0x8000004B  }
0xb3: {  	_ =	swait.ge [sflag:s29], $0x1  }
0xb4: {  	[sflag:s29] =	ssyncadd.s32 $0xFFFFFFFF  }
0xb5: {  	_ =	strace $0x9000004B  }
0xb6: {  	_ =	sfence  }
0xb7: {  	s30 =	sld [smem:$0x0];
	_ =	sdelay $0x2  }
0xb8: {  	s31 =	sshll.u32 s1, $0xD;
	s1 =	sshrl.u32 s1, $0x2  }
0xb9: {  	s3 =	sand.u32 $0x4000, s31;
	s1 =	sadd.s32 s1, s30  }
0xba: {  	s0 =	sor.u32 s3, s0;
	s1 =	sshll.u32 s1, $0x11  }
0xbb: {  	s0 =	sor.u32 s1, s0  }
0xbc: {  	s0 =	sadd.s32 $0x8F2B, s0  }
0xbd: {  	[sflag:s0] =	ssyncadd.remote.s32 $0x1  }
0xbe: {  	_ =	sfence.sel $0xFFFF  }
0xbf: {  	[dreg:$0x0] =	wrdreg $0xFFFFFFFF;
	(pc) =	sbr.abs _section_cstart, $3  }
0xc0: {  	[dreg:$0x1] =	wrdreg $0xFFFFFFFF  }
0xc1: {  	_ =	task.clear_ibuf [dreg:s6], $0x2FFFF;
	_ =	strace $0x9FFFFFFF  }
0xc2: {  	(tm) =	ssettm $0x7FFFFFFF  }
0xc3: {  	_ =	shalt  }
tec
execute0_lowered:
.L_overlay_start_1:
0x0: {  	(tag) =	ssettag $0x1  }
0x1: {  	s5 =	rddreg [dreg:$0x0];
	s0 =	srdreg.scid  }
0x2: {  	s2 =	rddreg [dreg:$0x1];
	s1 =	stileid.u32;
	s3 =	simm.s32 $0x0  }
0x3: {  	s13 =	simm.s32 $0x80;
	s14 =	simm.s32 $0x50;
	s8 =	smul.u32 $0x14000, s1  }
0x4: {  	s15 =	simm.s32 $0x100;
	s16 =	simm.s32 $0x1;
	s11 =	smul.u32 $0x50000, s1  }
0x5: {  	s6 =	sand.u32 $0x1, s0;
	s0 =	rddreg [dreg:$0x2];
	s31 =	smul.u32 $0x4E2, s1  }
0x6: {  	s17 =	simm.s32 $0x0;
	[smem:$0x7FF] =	sst s3;
	s7 =	smul.u32 $0x4E20, s6  }
0x7: {  	s4 =	sadd.s32 $0x3E200, s5;
	s30 =	sshll.u32 s1, $0x6;
	s9 =	smul.u32 $0x140000, s6  }
0x8: {  	_ =	strace $0x8000004A;
	s6 =	ssub.s32 $0x2, s6;
	s26 =	sshrl.u32 s8, $0x3  }
0x9: {  	s28 =	sshrl.u32 s6, $0x1;
	s29 =	sshrl.u32 s11, $0x2;
	s10 =	sadd.s32 s7, s5  }
0xa: {  	s8 =	sadd.s32 s8, s9;
	s7 =	sadd.s32 s26, s5;
	s9 =	ssub.s32 s6, s28  }
0xb: {  	s12 =	sadd.s32 s29, s2;
	s6 =	sor.u32 $0x1C02, s30;
	s8 =	sshrl.u32 s8, $0x3  }
0xc: {  	s10 =	sadd.s32 s31, s10;
	s11 =	sshrl.u32 s12, $0x3;
	s8 =	sadd.s32 s8, s5  }
0xd: {  	s12 =	simm.s32 $0x2;
	s5 =	sadd.s32 $0x16200, s7;
	s7 =	sadd.s32 $0xDE200, s8  }
0xe: {  	s8 =	smax.u32 s9, $0x1;
	s9 =	sadd.s32 $0xC400, s10;
	s10 =	sadd.s32 $0x2600, s10  }
.LBB2_1:
0xf: {  	[spmem:s11], [sflag:s6] =	dma.local [hbm:s5], $0x2800  }
0x10: {  	_ =	swait.ge [sflag:s12], $0x2800  }
0x11: {  	[sflag:s12] =	ssyncset.done $0x0  }
0x12: {  	[sflag:s12] =	ssyncadd.s32 $0xFFFFD800  }
0x13: {  	s18 =	sadd.s32 $0x0, s9;
	[bflag:$0x0] =	sbarrier.arrive $0xFFFF  }
0x14: {  	[tilespmem:s3], [sflag:$0x2] =	stream.linear.gather [hbm4b:s18+s3], $0x50, $0x38;
	[tilespmem:$0x16900] =	vst v63  }
0x15: {  	_ =	swait.ge [sflag:s12], $0x50  }
0x16: {  	[sflag:s12] =	ssyncset.done $0x0  }
0x17: {  	s31 =	sadd.s32 $0x0, s10;
	[sflag:s12] =	ssyncadd.s32 $0xFFFFFFB0  }
0x18: {  	[tilespmem:s13], [sflag:$0x2] =	stream.linear.gather [hbm4b:s31+s3], $0x50, $0x38;
	[tilespmem:$0x16900] =	vst v63  }
0x19: {  	_ =	swait.ge [sflag:s12], $0x50  }
0x1a: {  	[sflag:s12] =	ssyncset.done $0x0  }
0x1b: {  	[sflag:s12] =	ssyncadd.s32 $0xFFFFFFB0  }
0x1c: {  	[tilespmem:s15], [sflag:$0x1] =	stream.indirect.gather [hbm4b:s4+s14], $0x80, s3, s14, $0xb8;
	[tilespmem:$0x16900] =	vst v63  }
0x1d: {  	_ =	swait.ge [sflag:s16], $0x2800  }
0x1e: {  	[sflag:s16] =	ssyncset.done $0x0  }
0x1f: {  	[sflag:s16] =	ssyncadd.s32 $0xFFFFD800  }
0x20: {  	[spmem:s2] =	stream.indirect.scatter.add.f32 [tilespmem:s15], [sflag:$0x2], $0x80, s13, s14, $0xb8;
	[tilespmem:$0x16900] =	vst v63  }
0x21: {  	_ =	swait.ge [sflag:s12], $0x2800  }
0x22: {  	s19 =	simm.s32 $0x14;
	s18 =	simm.s32 $0xA;
	[sflag:s12] =	ssyncset.done $0x0  }
.LBB2_2:
0x23: {  	s20 =	sadd.s32 s18, s9  }
0x24: {  	[sflag:s12] =	ssyncadd.s32 $0xFFFFD800;
	s21 =	smov.u32 s19;
	s22 =	sadd.s32 $0xA, s19  }
0x25: {  	[tilespmem:s3], [sflag:$0x2] =	stream.linear.gather [hbm4b:s20+s3], $0x50, $0x38;
	[tilespmem:$0x16900] =	vst v63  }
0x26: {  	p0 =	sne.s32 s19, $0x4D8;
	_ =	swait.ge [sflag:s12], $0x50  }
0x27: {  	[sflag:s12] =	ssyncset.done $0x0  }
0x28: {  	s19 =	sadd.s32 s18, s10;
	s18 =	smov.u32 s21;
	[sflag:s12] =	ssyncadd.s32 $0xFFFFFFB0  }
0x29: {  	[tilespmem:s13], [sflag:$0x2] =	stream.linear.gather [hbm4b:s19+s3], $0x50, $0x38;
	[tilespmem:$0x16900] =	vst v63  }
0x2a: {  	_ =	swait.ge [sflag:s12], $0x50  }
0x2b: {  	[sflag:s12] =	ssyncset.done $0x0  }
0x2c: {  	[sflag:s12] =	ssyncadd.s32 $0xFFFFFFB0  }
0x2d: {  	[tilespmem:s15], [sflag:$0x1] =	stream.indirect.gather [hbm4b:s4+s14], $0x80, s3, s14, $0xb8;
	[tilespmem:$0x16900] =	vst v63  }
0x2e: {  	_ =	swait.ge [sflag:s16], $0x2800  }
.Ltmp0:
0x2f: {  	[sflag:s16] =	ssyncset.done $0x0;
	(pc) =	sbr.rel @p0 .LBB2_2-.Ltmp0, $4  }
0x30: {  	[sflag:s16] =	ssyncadd.s32 $0xFFFFD800  }
0x31: {  	[spmem:s2] =	stream.indirect.scatter.add.f32 [tilespmem:s15], [sflag:$0x2], $0x80, s13, s14, $0xb8;
	[tilespmem:$0x16900] =	vst v63  }
0x32: {  	_ =	swait.ge [sflag:s12], $0x2800  }
0x33: {  	s19 =	smov.u32 s22;
	[sflag:s12] =	ssyncset.done $0x0  }
0x34: {  	s19 =	sadd.s32 s18, s9;
	[sflag:s12] =	ssyncadd.s32 $0xFFFFD800  }
0x35: {  	[tilespmem:s3], [sflag:$0x2] =	stream.linear.gather [hbm4b:s19+s3], $0x50, $0x38;
	[tilespmem:$0x16900] =	vst v63  }
0x36: {  	_ =	swait.ge [sflag:s12], $0x50  }
0x37: {  	[sflag:s12] =	ssyncset.done $0x0  }
0x38: {  	s31 =	sadd.s32 s18, s10;
	[sflag:s12] =	ssyncadd.s32 $0xFFFFFFB0  }
0x39: {  	[tilespmem:s13], [sflag:$0x2] =	stream.linear.gather [hbm4b:s31+s3], $0x50, $0x38;
	[tilespmem:$0x16900] =	vst v63  }
0x3a: {  	_ =	swait.ge [sflag:s12], $0x50  }
0x3b: {  	[sflag:s12] =	ssyncset.done $0x0  }
0x3c: {  	[sflag:s12] =	ssyncadd.s32 $0xFFFFFFB0  }
0x3d: {  	[tilespmem:s15], [sflag:$0x1] =	stream.indirect.gather [hbm4b:s4+s14], $0x80, s3, s14, $0xb8;
	[tilespmem:$0x16900] =	vst v63  }
0x3e: {  	_ =	swait.ge [sflag:s16], $0x2800  }
0x3f: {  	[sflag:s16] =	ssyncset.done $0x0  }
0x40: {  	[sflag:s16] =	ssyncadd.s32 $0xFFFFD800  }
0x41: {  	[spmem:s2] =	stream.indirect.scatter.add.f32 [tilespmem:s15], [sflag:$0x2], $0x80, s13, s14, $0xb8;
	[tilespmem:$0x16900] =	vst v63  }
0x42: {  	_ =	swait.ge [sflag:s12], $0x2800  }
0x43: {  	s17 =	sadd.s32 $0x1, s17;
	[sflag:s12] =	ssyncset.done $0x0  }
0x44: {  	p0 =	sne.s32 s17, s8;
	[sflag:s12] =	ssyncadd.s32 $0xFFFFD800  }
.Ltmp1:
0x45: {  	[bflag:$0x0] =	sbarrier.arrive $0xFFFF;
	(pc) =	sbr.rel @p0 .LBB2_1-.Ltmp1, $4  }
0x46: {  	[hbm:s7], [sflag:s6] =	dma.local [spmem:s11], $0x2800  }
0x47: {  	_ =	swait.ge [sflag:s12], $0x2800  }
0x48: {  	[sflag:s12] =	ssyncset.done $0x0  }
0x49: {  	[sflag:s12] =	ssyncadd.s32 $0xFFFFD800  }
0x4a: {  	_ =	sfence.sel $0x180000  }
0x4b: {  	[bflag:$0x0] =	sbarrier.arrive $0xFFFF  }
0x4c: {  	p0 =	sne.s32 s1, $0x0;
	_ =	strace $0x9000004A  }
0x4d: {  	s0 =	sadd.s32 @!p0 $0x100000, s0;
	[bflag:$0x2] =	sbarrier.arrive $0xFFFF  }
0x4e: {  	[sflag:s0] =	ssyncadd.tile.s32 @!p0 $0x1;
	_ =	shalt  }
.Lfunc_end2:
_tile_overlayer_lowered:
.L_overlay_start_2:
0x4f: {  	(tag) =	ssettag $0x2  }
0x50: {  	s0 =	rddreg [dreg:$0x0];
	s2 =	stileid.u32  }
0x51: {  	s1 =	rddreg [dreg:$0x1];
	p0 =	sne.s32 s2, $0x0  }
0x52: {  	s3 =	rddreg [dreg:$0x2];
	[bflag:$0x3] =	sbarrier.arrive $0xFFFF;
	s2 =	simm.s32 @!p0 $0x1C02  }
0x53: {  	[timem:s3], [sflag:s2] =	dma.local @!p0 [hbm:s0], s1  }
0x54: {  	s0 =	simm.s32 @!p0 $0x2  }
0x55: {  	_ =	swait.ge @!p0 [sflag:s0], s1  }
0x56: {  	s1 =	ssub.s32 @!p0 $0x0, s1;
	[sflag:s0] =	ssyncset.done @!p0 $0x0  }
0x57: {  	[sflag:s0] =	ssyncadd.s32 @!p0 s1  }
0x58: {  	[bflag:$0x3] =	sbarrier.arrive $0xFFFF  }
0x59: {  	_ =	shalt  }

// kernel: kernel.14.cloned.1.call-start
scs
__scs_entry_jumppad:
0x0: {  	(pc) =	sbr.rel $0x88, $3  }
0x1: {  	(tag) =	ssettag $0x0;
	lr =	simm.s32 $0x1  }
0x2: {  	[smem:$0x3F92] =	sst lr;
	_ =	strace $0xD0000000  }
0x3: {  	_ = 	snop  }
0x4: {  	_ = 	snop  }
0x5: {  	_ = 	snop  }
0x6: {  	_ = 	snop  }
0x7: {  	_ = 	snop  }
__scs_overlays_trampoline_lowered:
0x8: {  	[smem:$0x3FA1] =	sst s0  }
0x9: {  	[smem:$0x3FA2] =	sst s1  }
0xa: {  	[smem:$0x3FA3] =	sst s2  }
0xb: {  	[smem:$0x3FA4] =	sst s3  }
0xc: {  	[smem:$0x3FA5] =	sst s4  }
0xd: {  	[smem:$0x3FA6] =	sst s5  }
0xe: {  	[smem:$0x3FA7] =	sst s6  }
0xf: {  	[smem:$0x3FA8] =	sst s7  }
0x10: {  	[smem:$0x3FA9] =	sst s8  }
0x11: {  	[smem:$0x3FAA] =	sst s9;
	s0 =	simm.s32 @!p0 $0x0  }
0x12: {  	s1 =	sld [smem:$0x3F90];
	s0 =	simm.s32 @p0 $0x1  }
0x13: {  	[smem:$0x3FAB] =	sst s0;
	s0 =	simm.s32 @!p1 $0x0  }
0x14: {  	s2 =	sld [smem:$0x3F8F];
	s0 =	simm.s32 @p1 $0x1  }
0x15: {  	[smem:$0x3FAC] =	sst s0;
	s0 =	simm.s32 @!p2 $0x0  }
0x16: {  	s3 =	sld [smem:$0x3FDB];
	s0 =	simm.s32 @p2 $0x1  }
0x17: {  	s4 =	simm.s32 $0x1BF5;
	[smem:$0x3FAE] =	sst s0  }
0x18: {  	s0 =	sld [smem:$0x3F91];
	_ =	swait.ge [sflag:s4], $0x0  }
0x19: {  	s7 =	sld [smem:$0x3F92]  }
0x1a: {  	s8 =	sadd.s32 $0xFFFFE003, lr  }
0x1b: {  	s9 =	sadd.s32 $0xFFFFFEF7, lr;
	s5 =	simm.s32 $0xFFFFFFFF;
	p2 =	slt.u32 s8, $0xFFFFF086  }
0x1c: {  	p1 =	slt.u32 s9, $0xF7A;
	s5 =	simm.s32 @!p2 $0x0  }
0x1d: {  	s5 =	simm.s32 @p1 $0x1;
	p0 =	seq.s32 s7, s2  }
0x1e: {  	s7 =	smul.u32 @!p0 $0xF7A, s2;
	p2 =	seq.s32 @!p0 s5, $0x0  }
0x1f: {  	s9 =	smul.u32 $0xF7A, s1;
	s8 =	simm.s32 @!p0 $0x1BF5;
	p2 =	por !p2, p0  }
0x20: {  	[sflag:s8] =	ssyncset.s32 @!p0 $0xFFFFF086;
	s6 =	sadd.s32 @!p0 s3, s7;
	s7 =	simm.s32 @!p0 $0x108  }
0x21: {  	s3 =	sadd.s32 s3, s9;
	s6 =	sadd.s32 @!p0 $0x88, s6;
	s7 =	simm.s32 @p2 $0x1082  }
0x22: {  	[simem:s7], [sflag:s8] =	dma.local @!p0 [hbm:s6], $0xF7A  }
0x23: {  	s9 =	sor.u32 $0xD0000000, s2;
	s6 =	simm.s32 $0x108;
	_ =	swait.ge @!p0 [sflag:s8], $0x0  }
0x24: {  	s3 =	sadd.s32 $0x88, s3;
	s6 =	simm.s32 @!p1 $0x1082;
	[sflag:s4] =	ssyncset.s32 $0xFFFFF086  }
0x25: {  	[simem:s6], [sflag:s4] =	dma.local [hbm:s3], $0xF7A  }
0x26: {  	[smem:$0x3F92] =	sst s1;
	(tag) =	ssettag s2;
	_ =	strace s9  }
0x27: {  	s1 =	sld [smem:$0x3FA2]  }
0x28: {  	s2 =	sld [smem:$0x3FA3]  }
0x29: {  	s4 =	sld [smem:$0x3FA5]  }
0x2a: {  	p0 =	seq.s32 s5, $0x0;
	s5 =	sld [smem:$0x3FA6]  }
0x2b: {  	s6 =	sld [smem:$0x3FA7]  }
0x2c: {  	s7 =	sld [smem:$0x3FA8]  }
0x2d: {  	s3 =	simm.s32 $0x108;
	s8 =	sld [smem:$0x3FA9]  }
0x2e: {  	s3 =	simm.s32 @!p0 $0x1082;
	s9 =	sld [smem:$0x3FAA]  }
0x2f: {  	lr =	sadd.s32 s0, s3;
	s0 =	sld [smem:$0x3FA1]  }
0x30: {  	s3 =	sld [smem:$0x3FA4]  }
0x31: {  	[smem:$0x3FAD] =	sst s10  }
0x32: {  	s10 =	sld [smem:$0x3FAB];
	_ =	sdelay $0x3  }
0x33: {  	p0 =	seq.s32 s10, $0x1;
	s10 =	sld [smem:$0x3FAD];
	_ =	sdelay $0x3  }
0x34: {  	[smem:$0x3FAD] =	sst s10  }
0x35: {  	s10 =	sld [smem:$0x3FAC];
	_ =	sdelay $0x3  }
0x36: {  	p1 =	seq.s32 s10, $0x1;
	s10 =	sld [smem:$0x3FAD];
	_ =	sdelay $0x3  }
0x37: {  	[smem:$0x3FAD] =	sst s10  }
0x38: {  	s10 =	sld [smem:$0x3FAE]  }
0x39: {  	_ = 	snop;
	(pc) =	sbr.ind lr, $3  }
0x3a: {  	_ = 	snop  }
0x3b: {  	_ = 	snop  }
0x3c: {  	p2 =	seq.s32 s10, $0x1;
	s10 =	sld [smem:$0x3FAD]  }
0x3d: {  	_ =	shalt  }
0x3e: {  	_ =	shalt  }
0x3f: {  	_ =	shalt  }
0x40: {  	_ =	shalt  }
0x41: {  	_ =	shalt  }
0x42: {  	_ =	shalt  }
0x43: {  	_ =	shalt  }
0x44: {  	_ =	shalt  }
0x45: {  	_ =	shalt  }
0x46: {  	_ =	shalt  }
0x47: {  	_ =	shalt  }
0x48: {  	_ =	shalt  }
0x49: {  	_ =	shalt  }
0x4a: {  	_ =	shalt  }
0x4b: {  	_ =	shalt  }
0x4c: {  	_ =	shalt  }
0x4d: {  	_ =	shalt  }
0x4e: {  	_ =	shalt  }
0x4f: {  	_ =	shalt  }
0x50: {  	_ =	shalt  }
0x51: {  	_ =	shalt  }
0x52: {  	_ =	shalt  }
0x53: {  	_ =	shalt  }
0x54: {  	_ =	shalt  }
0x55: {  	_ =	shalt  }
0x56: {  	_ =	shalt  }
0x57: {  	_ =	shalt  }
0x58: {  	_ =	shalt  }
0x59: {  	_ =	shalt  }
0x5a: {  	_ =	shalt  }
0x5b: {  	_ =	shalt  }
0x5c: {  	_ =	shalt  }
0x5d: {  	_ =	shalt  }
0x5e: {  	_ =	shalt  }
0x5f: {  	_ =	shalt  }
0x60: {  	_ =	shalt  }
0x61: {  	_ =	shalt  }
0x62: {  	_ =	shalt  }
0x63: {  	_ =	shalt  }
0x64: {  	_ =	shalt  }
0x65: {  	_ =	shalt  }
0x66: {  	_ =	shalt  }
0x67: {  	_ =	shalt  }
0x68: {  	_ =	shalt  }
0x69: {  	_ =	shalt  }
0x6a: {  	_ =	shalt  }
0x6b: {  	_ =	shalt  }
0x6c: {  	_ =	shalt  }
0x6d: {  	_ =	shalt  }
0x6e: {  	_ =	shalt  }
0x6f: {  	_ =	shalt  }
0x70: {  	_ =	shalt  }
0x71: {  	_ =	shalt  }
0x72: {  	_ =	shalt  }
0x73: {  	_ =	shalt  }
0x74: {  	_ =	shalt  }
0x75: {  	_ =	shalt  }
0x76: {  	_ =	shalt  }
0x77: {  	_ =	shalt  }
0x78: {  	_ =	shalt  }
0x79: {  	_ =	shalt  }
0x7a: {  	_ =	shalt  }
0x7b: {  	_ =	shalt  }
0x7c: {  	_ =	shalt  }
0x7d: {  	_ =	shalt  }
0x7e: {  	_ =	shalt  }
0x7f: {  	_ =	shalt  }
0x80: {  	_ =	shalt  }
0x81: {  	_ =	shalt  }
0x82: {  	_ =	shalt  }
0x83: {  	_ =	shalt  }
0x84: {  	_ =	shalt  }
0x85: {  	_ =	shalt  }
0x86: {  	_ =	shalt  }
0x87: {  	_ =	shalt  }
.Lfunc_end0:
.L_simem_size_0:
called_computation.2_lowered:
.L_overlay_start_0:
0x88: {  	s2 =	sld [smem:$0x3FD9]  }
0x89: {  	s3 =	sld [smem:$0x3FFE];
	_ =	sdelay $0x1  }
0x8a: {  	s1 =	srdreg.scid  }
0x8b: {  	s0 =	sand.u32 $0x1, s1  }
0x8c: {  	s17 =	sshll.u32 s0, $0xA;
	s2 =	sadd.s32 s3, s2  }
0x8d: {  	s2 =	sadd.s32 s2, s17  }
0x8e: {  	[smem:$0x3FB9] =	sst s2  }
0x8f: {  	_ = 	snop  }
0x90: {  	s2 =	sld [smem:$0x3FD0];
	(tm) =	ssettm $0x1  }
0x91: {  	s18 =	sld [smem:$0x3FFB];
	_ =	sdelay $0x3  }
0x92: {  	_ =	strace s18  }
0x93: {  	s3 =	sld [smem:$0x3FFC];
	_ =	sdelay $0x3  }
0x94: {  	_ =	strace s3  }
0x95: {  	s3 =	sld [smem:$0x3FFD];
	_ =	sdelay $0x3  }
0x96: {  	_ =	strace s3  }
0x97: {  	_ =	strace $0x8FFFFFFF  }
0x98: {  	s19 =	sld [smem:$0x3FDB];
	_ =	sdelay $0x1  }
0x99: {  	s4 =	simm.s32 $_scs_section_size  }
0x9a: {  	s5 =	simm.s32 $_size__tile_overlayer_lowered;
	s6 =	simm.s32 $_tile_overlayer_lowered  }
0x9b: {  	s22 =	simm.s32 $0x1BFF;
	s21 =	sshll.u32 s6, $0x1;
	s3 =	sadd.s32 s4, s19  }
0x9c: {  	s7 =	simm.s32 $0x0;
	s20 =	sshll.u32 s5, $0x1;
	s5 =	sadd.s32 s21, s3  }
0x9d: {  	[timem:s7], [sflag:s22] =	dma.local [hbm:s5], s20  }
0x9e: {  	_ =	swait.ge [sflag:s22], s20  }
0x9f: {  	s4 =	ssub.s32 $0x0, s20;
	[sflag:s22] =	ssyncset.done $0x0  }
0xa0: {  	[sflag:s22] =	ssyncadd.s32 s4;
	_ =	sdelay $0x1  }
0xa1: {  	s23 =	simm.s32 $0x1B8B  }
0xa2: {  	_ =	swait.ge [sflag:s23], $0x1  }
0xa3: {  	[sflag:s23] =	ssyncset.done $0x0  }
0xa4: {  	s25 =	simm.s32 $0x1B8E;
	s24 =	sld [smem:$0x3FFE];
	[sflag:s23] =	ssyncadd.s32 $0xFFFFFFFF  }
0xa5: {  	s26 =	simm.s32 $execute0_lowered;
	[smem:$0x3FD2] =	sst s25  }
0xa6: {  	s5 =	sshll.u32 s26, $0x1;
	_ =	strace $0x8000004C;
	[dreg:$0x1] =	wrdreg $0xFFFFFFFF  }
0xa7: {  	s28 =	simm.s32 $_size_execute0_lowered;
	s3 =	sadd.s32 s3, s5;
	[dreg:$0x0] =	wrdreg $0x0  }
0xa8: {  	s5 =	sshll.u32 s28, $0x1;
	[dreg:$0x2] =	wrdreg s3  }
0xa9: {  	[dreg:$0x3] =	wrdreg s5  }
0xaa: {  	[dreg:$0x4] =	wrdreg $0xC0  }
0xab: {  	_ =	task [dreg:s7], $0x5FFFF  }
0xac: {  	[dreg:$0x1] =	wrdreg $0xFFFFFFFF  }
0xad: {  	[dreg:$0x0] =	wrdreg $0x60  }
0xae: {  	[dreg:$0x2] =	wrdreg s24  }
0xaf: {  	[dreg:$0x3] =	wrdreg s2  }
0xb0: {  	[dreg:$0x4] =	wrdreg $0x9  }
0xb1: {  	_ =	task.clear_ibuf [dreg:s7], $0x5FFFF;
	_ =	strace $0x9000004C  }
0xb2: {  	s29 =	simm.s32 $0x9;
	_ =	strace $0x8000004E  }
0xb3: {  	_ =	swait.ge [sflag:s29], $0x1  }
0xb4: {  	[sflag:s29] =	ssyncadd.s32 $0xFFFFFFFF  }
0xb5: {  	_ =	strace $0x9000004E  }
0xb6: {  	_ =	sfence  }
0xb7: {  	s30 =	sld [smem:$0x0];
	_ =	sdelay $0x2  }
0xb8: {  	s31 =	sshll.u32 s1, $0xD;
	s1 =	sshrl.u32 s1, $0x2  }
0xb9: {  	s3 =	sand.u32 $0x4000, s31;
	s1 =	sadd.s32 s1, s30  }
0xba: {  	s0 =	sor.u32 s3, s0;
	s1 =	sshll.u32 s1, $0x11  }
0xbb: {  	s0 =	sor.u32 s1, s0  }
0xbc: {  	s0 =	sadd.s32 $0x8F2B, s0  }
0xbd: {  	[sflag:s0] =	ssyncadd.remote.s32 $0x1  }
0xbe: {  	_ =	sfence.sel $0xFFFF  }
0xbf: {  	[dreg:$0x0] =	wrdreg $0xFFFFFFFF;
	(pc) =	sbr.abs _section_cstart, $3  }
0xc0: {  	[dreg:$0x1] =	wrdreg $0xFFFFFFFF  }
0xc1: {  	_ =	task.clear_ibuf [dreg:s7], $0x2FFFF;
	_ =	strace $0x9FFFFFFF  }
0xc2: {  	(tm) =	ssettm $0x7FFFFFFF  }
0xc3: {  	_ =	shalt  }
tec
execute0_lowered:
.L_overlay_start_1:
0x0: {  	(tag) =	ssettag $0x1  }
0x1: {  	s4 =	rddreg [dreg:$0x0]  }
0x2: {  	s1 =	rddreg [dreg:$0x1]  }
0x3: {  	s0 =	rddreg [dreg:$0x2];
	s2 =	simm.s32 $0x0;
	s7 =	srdreg.scid  }
0x4: {  	s15 =	simm.s32 $0x1;
	[smem:$0x7FF] =	sst s2;
	s3 =	sadd.s32 $0x2600, s4  }
0x5: {  	s5 =	sadd.s32 $0x65400, s4;
	s6 =	sadd.s32 $0x6B600, s4;
	s8 =	sand.u32 $0x1, s7  }
0x6: {  	s7 =	sadd.s32 $0x378A00, s4;
	s4 =	stileid.u32;
	s10 =	smul.u32 $0x500, s8  }
0x7: {  	s16 =	simm.s32 $0x0;
	_ =	strace $0x8000004D;
	s12 =	smul.u32 $0x50, s4  }
0x8: {  	s9 =	ssub.s32 $0x2, s8;
	s11 =	sshll.u32 s8, $0x4;
	s14 =	smul.u32 $0x28000, s8  }
0x9: {  	s31 =	smul.u32 $0x2800, s4;
	s13 =	sshrl.u32 s9, $0x1;
	s11 =	sor.u32 s11, s4  }
0xa: {  	s29 =	ssub.s32 s9, s13;
	s30 =	ssub.s32 $0x9E3, s11;
	s10 =	sadd.s32 s12, s10  }
0xb: {  	s11 =	sadd.s32 s31, s14;
	s12 =	simm.s32 $0x2;
	s13 =	simm.s32 $0x50  }
0xc: {  	s14 =	simm.s32 $0x80;
	s8 =	smax.u32 s29, $0x1;
	s9 =	sshrl.u32 s30, $0x5  }
.LBB2_1:
0xd: {  	p1 =	sne.s32 s9, $0x1  }
.Ltmp0:
0xe: {  	_ = 	snop;
	(pc) =	sbr.rel @!p1 .LBB2_2-.Ltmp0, $2  }
0xf: {  	_ =	sdelay $0x2  }
0x10: {  	s18 =	sadd.s32 $0xFFFFFFFF, s9;
	s17 =	sshrl.u32 s10, $0x3;
	p0 =	por $0x0, $0x0  }
0x11: {  	s19 =	sadd.s32 s5, s17  }
0x12: {  	[tilespmem:s2], [sflag:$0x2] =	stream.linear.gather [hbm4b:s19+s2], $0x50, $0x38;
	[tilespmem:$0x2880] =	vst v63  }
0x13: {  	_ =	swait.ge [sflag:s12], $0x50  }
0x14: {  	[sflag:s12] =	ssyncset.done $0x0  }
0x15: {  	[sflag:s12] =	ssyncadd.s32 $0xFFFFFFB0  }
0x16: {  	[tilespmem:s14], [sflag:$0x1] =	stream.indirect.gather [hbm4b:s3+s13], $0x80, s2, s13, $0xb8;
	[tilespmem:$0x2880] =	vst v63  }
0x17: {  	_ =	swait.ge [sflag:s15], $0x2800  }
0x18: {  	s29 =	sshrl.u32 s11, $0x3;
	[sflag:s15] =	ssyncset.done $0x0  }
0x19: {  	s20 =	sadd.s32 s6, s29;
	[sflag:s15] =	ssyncadd.s32 $0xFFFFD800  }
0x1a: {  	[hbm4b:s20+s2] =	stream.linear.scatter [tilespmem:s14], [sflag:$0x2], $0x2800, $0x38;
	[tilespmem:$0x2880] =	vst v63  }
0x1b: {  	_ =	swait.ge [sflag:s12], $0x2800  }
0x1c: {  	[sflag:s12] =	ssyncset.done $0x0  }
0x1d: {  	s30 =	sadd.s32 s1, s17;
	[sflag:s12] =	ssyncadd.s32 $0xFFFFD800  }
0x1e: {  	[tilespmem:s2], [sflag:$0x2] =	stream.linear.gather [hbm4b:s30+s2], $0x50, $0x38;
	[tilespmem:$0x2880] =	vst v63  }
0x1f: {  	_ =	swait.ge [sflag:s12], $0x50  }
0x20: {  	[sflag:s12] =	ssyncset.done $0x0  }
0x21: {  	[sflag:s12] =	ssyncadd.s32 $0xFFFFFFB0  }
0x22: {  	[tilespmem:s14], [sflag:$0x1] =	stream.indirect.gather [hbm4b:s3+s13], $0x80, s2, s13, $0xb8;
	[tilespmem:$0x2880] =	vst v63  }
0x23: {  	p1 =	sne.s32 s18, $0x1;
	_ =	swait.ge [sflag:s15], $0x2800  }
.Ltmp1:
0x24: {  	[sflag:s15] =	ssyncset.done $0x0;
	(pc) =	sbr.rel @!p1 .LBB2_4-.Ltmp1, $4  }
0x25: {  	p0 =	por $0x1, $0x1;
	s31 =	sadd.s32 s7, s29;
	[sflag:s15] =	ssyncadd.s32 $0xFFFFD800  }
0x26: {  	[hbm4b:s31+s2] =	stream.linear.scatter [tilespmem:s14], [sflag:$0x2], $0x2800, $0x38;
	[tilespmem:$0x2880] =	vst v63  }
0x27: {  	s19 =	sadd.s32 $0xFFFFFFFF, s18;
	s20 =	sadd.s32 $0xA00, s10;
	_ =	swait.ge [sflag:s12], $0x2800  }
0x28: {  	s18 =	smov.u32 s11;
	s17 =	sshrl.u32 s20, $0x3;
	[sflag:s12] =	ssyncset.done $0x0  }
.LBB2_5:
0x29: {  	s21 =	sadd.s32 s5, s17;
	[sflag:s12] =	ssyncadd.s32 $0xFFFFD800;
	s18 =	sadd.s32 $0x50000, s18  }
0x2a: {  	[tilespmem:s2], [sflag:$0x2] =	stream.linear.gather [hbm4b:s21+s2], $0x50, $0x38;
	[tilespmem:$0x2880] =	vst v63  }
0x2b: {  	p1 =	sne.s32 s19, $0x1;
	s19 =	sadd.s32 $0xFFFFFFFF, s19;
	_ =	swait.ge [sflag:s12], $0x50  }
0x2c: {  	[sflag:s12] =	ssyncset.done $0x0  }
0x2d: {  	[sflag:s12] =	ssyncadd.s32 $0xFFFFFFB0  }
0x2e: {  	[tilespmem:s14], [sflag:$0x1] =	stream.indirect.gather [hbm4b:s3+s13], $0x80, s2, s13, $0xb8;
	[tilespmem:$0x2880] =	vst v63  }
0x2f: {  	_ =	swait.ge [sflag:s15], $0x2800  }
0x30: {  	s21 =	sshrl.u32 s18, $0x3;
	[sflag:s15] =	ssyncset.done $0x0  }
0x31: {  	s22 =	sadd.s32 s6, s21;
	[sflag:s15] =	ssyncadd.s32 $0xFFFFD800  }
0x32: {  	[hbm4b:s22+s2] =	stream.linear.scatter [tilespmem:s14], [sflag:$0x2], $0x2800, $0x38;
	[tilespmem:$0x2880] =	vst v63  }
0x33: {  	_ =	swait.ge [sflag:s12], $0x2800  }
0x34: {  	[sflag:s12] =	ssyncset.done $0x0  }
0x35: {  	s17 =	sadd.s32 s1, s17;
	[sflag:s12] =	ssyncadd.s32 $0xFFFFD800  }
0x36: {  	[tilespmem:s2], [sflag:$0x2] =	stream.linear.gather [hbm4b:s17+s2], $0x50, $0x38;
	[tilespmem:$0x2880] =	vst v63  }
0x37: {  	_ =	swait.ge [sflag:s12], $0x50  }
0x38: {  	[sflag:s12] =	ssyncset.done $0x0  }
0x39: {  	[sflag:s12] =	ssyncadd.s32 $0xFFFFFFB0  }
0x3a: {  	[tilespmem:s14], [sflag:$0x1] =	stream.indirect.gather [hbm4b:s3+s13], $0x80, s2, s13, $0xb8;
	[tilespmem:$0x2880] =	vst v63  }
0x3b: {  	_ =	swait.ge [sflag:s15], $0x2800  }
.Ltmp2:
0x3c: {  	[sflag:s15] =	ssyncset.done $0x0;
	(pc) =	sbr.rel @p1 .LBB2_5-.Ltmp2, $4  }
0x3d: {  	s17 =	sadd.s32 s7, s21;
	[sflag:s15] =	ssyncadd.s32 $0xFFFFD800  }
0x3e: {  	[hbm4b:s17+s2] =	stream.linear.scatter [tilespmem:s14], [sflag:$0x2], $0x2800, $0x38;
	[tilespmem:$0x2880] =	vst v63  }
0x3f: {  	s20 =	sadd.s32 $0xA00, s20;
	_ =	swait.ge [sflag:s12], $0x2800  }
0x40: {  	s17 =	sshrl.u32 s20, $0x3;
	[sflag:s12] =	ssyncset.done $0x0  }
.LBB2_6:
0x41: {  	s19 =	sadd.s32 s5, s17;
	[sflag:s12] =	ssyncadd.s32 @p0 $0xFFFFD800  }
0x42: {  	[tilespmem:s2], [sflag:$0x2] =	stream.linear.gather [hbm4b:s19+s2], $0x50, $0x38;
	[tilespmem:$0x2880] =	vst v63  }
0x43: {  	_ =	swait.ge [sflag:s12], $0x50  }
0x44: {  	[sflag:s12] =	ssyncset.done $0x0  }
0x45: {  	s18 =	sadd.s32 @p0 $0x50000, s18;
	s19 =	smov.u32 s11;
	[sflag:s12] =	ssyncadd.s32 $0xFFFFFFB0  }
0x46: {  	[tilespmem:s14], [sflag:$0x1] =	stream.indirect.gather [hbm4b:s3+s13], $0x80, s2, s13, $0xb8;
	[tilespmem:$0x2880] =	vst v63  }
0x47: {  	s19 =	smov.u32 @p0 s18;
	_ =	swait.ge [sflag:s15], $0x2800  }
0x48: {  	s18 =	sshrl.u32 s19, $0x3;
	[sflag:s15] =	ssyncset.done $0x0  }
0x49: {  	s19 =	sadd.s32 s6, s18;
	[sflag:s15] =	ssyncadd.s32 $0xFFFFD800  }
0x4a: {  	[hbm4b:s19+s2] =	stream.linear.scatter [tilespmem:s14], [sflag:$0x2], $0x2800, $0x38;
	[tilespmem:$0x2880] =	vst v63  }
0x4b: {  	_ =	swait.ge [sflag:s12], $0x2800  }
0x4c: {  	[sflag:s12] =	ssyncset.done $0x0  }
0x4d: {  	s30 =	sadd.s32 s1, s17;
	[sflag:s12] =	ssyncadd.s32 $0xFFFFD800  }
0x4e: {  	[tilespmem:s2], [sflag:$0x2] =	stream.linear.gather [hbm4b:s30+s2], $0x50, $0x38;
	[tilespmem:$0x2880] =	vst v63  }
0x4f: {  	_ =	swait.ge [sflag:s12], $0x50  }
0x50: {  	[sflag:s12] =	ssyncset.done $0x0  }
0x51: {  	[sflag:s12] =	ssyncadd.s32 $0xFFFFFFB0  }
0x52: {  	[tilespmem:s14], [sflag:$0x1] =	stream.indirect.gather [hbm4b:s3+s13], $0x80, s2, s13, $0xb8;
	[tilespmem:$0x2880] =	vst v63  }
0x53: {  	_ =	swait.ge [sflag:s15], $0x2800  }
0x54: {  	s16 =	sadd.s32 $0x1, s16;
	[sflag:s15] =	ssyncset.done $0x0  }
0x55: {  	p0 =	sne.s32 s16, s8;
	s31 =	sadd.s32 s7, s18;
	[sflag:s15] =	ssyncadd.s32 $0xFFFFD800  }
0x56: {  	[hbm4b:s31+s2] =	stream.linear.scatter [tilespmem:s14], [sflag:$0x2], $0x2800, $0x38;
	[tilespmem:$0x2880] =	vst v63  }
.Ltmp3:
0x57: {  	_ = 	snop;
	(pc) =	sbr.rel @p0 .LBB2_1-.Ltmp3, $4  }
.Ltmp4:
0x58: {  	_ = 	snop;
	(pc) =	sbr.rel @!p0 .LBB2_7-.Ltmp4, $4  }
0x59: {  	_ =	swait.ge [sflag:s12], $0x2800  }
0x5a: {  	[sflag:s12] =	ssyncset.done $0x0  }
0x5b: {  	[sflag:s12] =	ssyncadd.s32 $0xFFFFD800  }
0x5c: {  	_ = 	snop  }
.LBB2_2:
.Ltmp5:
0x5d: {  	(pc) =	sbr.rel .LBB2_6-.Ltmp5, $2  }
0x5e: {  	_ =	sdelay $0x2  }
0x5f: {  	s18 =	smov.u32 s11  }
.LBB2_4:
.Ltmp6:
0x60: {  	(pc) =	sbr.rel .LBB2_6-.Ltmp6, $2  }
0x61: {  	_ =	sdelay $0x2  }
0x62: {  	s18 =	smov.u32 s11  }
.LBB2_7:
0x63: {  	_ =	sfence.sel $0x180000  }
0x64: {  	[bflag:$0x0] =	sbarrier.arrive $0xFFFF  }
0x65: {  	p0 =	sne.s32 s4, $0x0;
	_ =	strace $0x9000004D  }
0x66: {  	s0 =	sadd.s32 @!p0 $0x100000, s0;
	[bflag:$0x2] =	sbarrier.arrive $0xFFFF  }
0x67: {  	[sflag:s0] =	ssyncadd.tile.s32 @!p0 $0x1;
	_ =	shalt  }
.Lfunc_end2:
_tile_overlayer_lowered:
.L_overlay_start_2:
0x68: {  	(tag) =	ssettag $0x2  }
0x69: {  	s0 =	rddreg [dreg:$0x0];
	s2 =	stileid.u32  }
0x6a: {  	s1 =	rddreg [dreg:$0x1];
	p0 =	sne.s32 s2, $0x0  }
0x6b: {  	s3 =	rddreg [dreg:$0x2];
	[bflag:$0x3] =	sbarrier.arrive $0xFFFF;
	s2 =	simm.s32 @!p0 $0x1C02  }
0x6c: {  	[timem:s3], [sflag:s2] =	dma.local @!p0 [hbm:s0], s1  }
0x6d: {  	s0 =	simm.s32 @!p0 $0x2  }
0x6e: {  	_ =	swait.ge @!p0 [sflag:s0], s1  }
0x6f: {  	s1 =	ssub.s32 @!p0 $0x0, s1;
	[sflag:s0] =	ssyncset.done @!p0 $0x0  }
0x70: {  	[sflag:s0] =	ssyncadd.s32 @!p0 s1  }
0x71: {  	[bflag:$0x3] =	sbarrier.arrive $0xFFFF  }
0x72: {  	_ =	shalt  }

// kernel: kernel.8.cloned.1.call-start
scs
__scs_entry_jumppad:
0x0: {  	(pc) =	sbr.rel $0x88, $3  }
0x1: {  	(tag) =	ssettag $0x0;
	lr =	simm.s32 $0x1  }
0x2: {  	[smem:$0x3F92] =	sst lr;
	_ =	strace $0xD0000000  }
0x3: {  	_ = 	snop  }
0x4: {  	_ = 	snop  }
0x5: {  	_ = 	snop  }
0x6: {  	_ = 	snop  }
0x7: {  	_ = 	snop  }
__scs_overlays_trampoline_lowered:
0x8: {  	[smem:$0x3FA1] =	sst s0  }
0x9: {  	[smem:$0x3FA2] =	sst s1  }
0xa: {  	[smem:$0x3FA3] =	sst s2  }
0xb: {  	[smem:$0x3FA4] =	sst s3  }
0xc: {  	[smem:$0x3FA5] =	sst s4  }
0xd: {  	[smem:$0x3FA6] =	sst s5  }
0xe: {  	[smem:$0x3FA7] =	sst s6  }
0xf: {  	[smem:$0x3FA8] =	sst s7  }
0x10: {  	[smem:$0x3FA9] =	sst s8  }
0x11: {  	[smem:$0x3FAA] =	sst s9;
	s0 =	simm.s32 @!p0 $0x0  }
0x12: {  	s1 =	sld [smem:$0x3F90];
	s0 =	simm.s32 @p0 $0x1  }
0x13: {  	[smem:$0x3FAB] =	sst s0;
	s0 =	simm.s32 @!p1 $0x0  }
0x14: {  	s2 =	sld [smem:$0x3F8F];
	s0 =	simm.s32 @p1 $0x1  }
0x15: {  	[smem:$0x3FAC] =	sst s0;
	s0 =	simm.s32 @!p2 $0x0  }
0x16: {  	s3 =	sld [smem:$0x3FDB];
	s0 =	simm.s32 @p2 $0x1  }
0x17: {  	s4 =	simm.s32 $0x1BF5;
	[smem:$0x3FAE] =	sst s0  }
0x18: {  	s0 =	sld [smem:$0x3F91];
	_ =	swait.ge [sflag:s4], $0x0  }
0x19: {  	s7 =	sld [smem:$0x3F92]  }
0x1a: {  	s8 =	sadd.s32 $0xFFFFE003, lr  }
0x1b: {  	s9 =	sadd.s32 $0xFFFFFEF7, lr;
	s5 =	simm.s32 $0xFFFFFFFF;
	p2 =	slt.u32 s8, $0xFFFFF086  }
0x1c: {  	p1 =	slt.u32 s9, $0xF7A;
	s5 =	simm.s32 @!p2 $0x0  }
0x1d: {  	s5 =	simm.s32 @p1 $0x1;
	p0 =	seq.s32 s7, s2  }
0x1e: {  	s7 =	smul.u32 @!p0 $0xF7A, s2;
	p2 =	seq.s32 @!p0 s5, $0x0  }
0x1f: {  	s9 =	smul.u32 $0xF7A, s1;
	s8 =	simm.s32 @!p0 $0x1BF5;
	p2 =	por !p2, p0  }
0x20: {  	[sflag:s8] =	ssyncset.s32 @!p0 $0xFFFFF086;
	s6 =	sadd.s32 @!p0 s3, s7;
	s7 =	simm.s32 @!p0 $0x108  }
0x21: {  	s3 =	sadd.s32 s3, s9;
	s6 =	sadd.s32 @!p0 $0x88, s6;
	s7 =	simm.s32 @p2 $0x1082  }
0x22: {  	[simem:s7], [sflag:s8] =	dma.local @!p0 [hbm:s6], $0xF7A  }
0x23: {  	s9 =	sor.u32 $0xD0000000, s2;
	s6 =	simm.s32 $0x108;
	_ =	swait.ge @!p0 [sflag:s8], $0x0  }
0x24: {  	s3 =	sadd.s32 $0x88, s3;
	s6 =	simm.s32 @!p1 $0x1082;
	[sflag:s4] =	ssyncset.s32 $0xFFFFF086  }
0x25: {  	[simem:s6], [sflag:s4] =	dma.local [hbm:s3], $0xF7A  }
0x26: {  	[smem:$0x3F92] =	sst s1;
	(tag) =	ssettag s2;
	_ =	strace s9  }
0x27: {  	s1 =	sld [smem:$0x3FA2]  }
0x28: {  	s2 =	sld [smem:$0x3FA3]  }
0x29: {  	s4 =	sld [smem:$0x3FA5]  }
0x2a: {  	p0 =	seq.s32 s5, $0x0;
	s5 =	sld [smem:$0x3FA6]  }
0x2b: {  	s6 =	sld [smem:$0x3FA7]  }
0x2c: {  	s7 =	sld [smem:$0x3FA8]  }
0x2d: {  	s3 =	simm.s32 $0x108;
	s8 =	sld [smem:$0x3FA9]  }
0x2e: {  	s3 =	simm.s32 @!p0 $0x1082;
	s9 =	sld [smem:$0x3FAA]  }
0x2f: {  	lr =	sadd.s32 s0, s3;
	s0 =	sld [smem:$0x3FA1]  }
0x30: {  	s3 =	sld [smem:$0x3FA4]  }
0x31: {  	[smem:$0x3FAD] =	sst s10  }
0x32: {  	s10 =	sld [smem:$0x3FAB];
	_ =	sdelay $0x3  }
0x33: {  	p0 =	seq.s32 s10, $0x1;
	s10 =	sld [smem:$0x3FAD];
	_ =	sdelay $0x3  }
0x34: {  	[smem:$0x3FAD] =	sst s10  }
0x35: {  	s10 =	sld [smem:$0x3FAC];
	_ =	sdelay $0x3  }
0x36: {  	p1 =	seq.s32 s10, $0x1;
	s10 =	sld [smem:$0x3FAD];
	_ =	sdelay $0x3  }
0x37: {  	[smem:$0x3FAD] =	sst s10  }
0x38: {  	s10 =	sld [smem:$0x3FAE]  }
0x39: {  	_ = 	snop;
	(pc) =	sbr.ind lr, $3  }
0x3a: {  	_ = 	snop  }
0x3b: {  	_ = 	snop  }
0x3c: {  	p2 =	seq.s32 s10, $0x1;
	s10 =	sld [smem:$0x3FAD]  }
0x3d: {  	_ =	shalt  }
0x3e: {  	_ =	shalt  }
0x3f: {  	_ =	shalt  }
0x40: {  	_ =	shalt  }
0x41: {  	_ =	shalt  }
0x42: {  	_ =	shalt  }
0x43: {  	_ =	shalt  }
0x44: {  	_ =	shalt  }
0x45: {  	_ =	shalt  }
0x46: {  	_ =	shalt  }
0x47: {  	_ =	shalt  }
0x48: {  	_ =	shalt  }
0x49: {  	_ =	shalt  }
0x4a: {  	_ =	shalt  }
0x4b: {  	_ =	shalt  }
0x4c: {  	_ =	shalt  }
0x4d: {  	_ =	shalt  }
0x4e: {  	_ =	shalt  }
0x4f: {  	_ =	shalt  }
0x50: {  	_ =	shalt  }
0x51: {  	_ =	shalt  }
0x52: {  	_ =	shalt  }
0x53: {  	_ =	shalt  }
0x54: {  	_ =	shalt  }
0x55: {  	_ =	shalt  }
0x56: {  	_ =	shalt  }
0x57: {  	_ =	shalt  }
0x58: {  	_ =	shalt  }
0x59: {  	_ =	shalt  }
0x5a: {  	_ =	shalt  }
0x5b: {  	_ =	shalt  }
0x5c: {  	_ =	shalt  }
0x5d: {  	_ =	shalt  }
0x5e: {  	_ =	shalt  }
0x5f: {  	_ =	shalt  }
0x60: {  	_ =	shalt  }
0x61: {  	_ =	shalt  }
0x62: {  	_ =	shalt  }
0x63: {  	_ =	shalt  }
0x64: {  	_ =	shalt  }
0x65: {  	_ =	shalt  }
0x66: {  	_ =	shalt  }
0x67: {  	_ =	shalt  }
0x68: {  	_ =	shalt  }
0x69: {  	_ =	shalt  }
0x6a: {  	_ =	shalt  }
0x6b: {  	_ =	shalt  }
0x6c: {  	_ =	shalt  }
0x6d: {  	_ =	shalt  }
0x6e: {  	_ =	shalt  }
0x6f: {  	_ =	shalt  }
0x70: {  	_ =	shalt  }
0x71: {  	_ =	shalt  }
0x72: {  	_ =	shalt  }
0x73: {  	_ =	shalt  }
0x74: {  	_ =	shalt  }
0x75: {  	_ =	shalt  }
0x76: {  	_ =	shalt  }
0x77: {  	_ =	shalt  }
0x78: {  	_ =	shalt  }
0x79: {  	_ =	shalt  }
0x7a: {  	_ =	shalt  }
0x7b: {  	_ =	shalt  }
0x7c: {  	_ =	shalt  }
0x7d: {  	_ =	shalt  }
0x7e: {  	_ =	shalt  }
0x7f: {  	_ =	shalt  }
0x80: {  	_ =	shalt  }
0x81: {  	_ =	shalt  }
0x82: {  	_ =	shalt  }
0x83: {  	_ =	shalt  }
0x84: {  	_ =	shalt  }
0x85: {  	_ =	shalt  }
0x86: {  	_ =	shalt  }
0x87: {  	_ =	shalt  }
.Lfunc_end0:
.L_simem_size_0:
called_computation_lowered:
.L_overlay_start_0:
0x88: {  	s2 =	sld [smem:$0x3FD9]  }
0x89: {  	s3 =	sld [smem:$0x3FFE];
	_ =	sdelay $0x1  }
0x8a: {  	s1 =	srdreg.scid  }
0x8b: {  	s0 =	sand.u32 $0x1, s1  }
0x8c: {  	s17 =	sshll.u32 s0, $0xA;
	s2 =	sadd.s32 s3, s2  }
0x8d: {  	s2 =	sadd.s32 s2, s17  }
0x8e: {  	[smem:$0x3FB9] =	sst s2  }
0x8f: {  	_ = 	snop  }
0x90: {  	s2 =	sld [smem:$0x3FC9]  }
0x91: {  	s18 =	sld [smem:$0x3FD0];
	(tm) =	ssettm $0x1  }
0x92: {  	s4 =	sld [smem:$0x3FFB];
	_ =	sdelay $0x3  }
0x93: {  	_ =	strace s4  }
0x94: {  	s4 =	sld [smem:$0x3FFC];
	_ =	sdelay $0x3  }
0x95: {  	_ =	strace s4  }
0x96: {  	s4 =	sld [smem:$0x3FFD];
	_ =	sdelay $0x3  }
0x97: {  	_ =	strace s4  }
0x98: {  	_ =	strace $0x8FFFFFFF  }
0x99: {  	s19 =	sld [smem:$0x3FDB];
	_ =	sdelay $0x1  }
0x9a: {  	s5 =	simm.s32 $_scs_section_size  }
0x9b: {  	s6 =	simm.s32 $_size__tile_overlayer_lowered;
	s7 =	simm.s32 $_tile_overlayer_lowered  }
0x9c: {  	s22 =	simm.s32 $0x1BFF;
	s21 =	sshll.u32 s7, $0x1;
	s4 =	sadd.s32 s5, s19  }
0x9d: {  	s8 =	simm.s32 $0x0;
	s20 =	sshll.u32 s6, $0x1;
	s6 =	sadd.s32 s21, s4  }
0x9e: {  	[timem:s8], [sflag:s22] =	dma.local [hbm:s6], s20  }
0x9f: {  	_ =	swait.ge [sflag:s22], s20  }
0xa0: {  	s5 =	ssub.s32 $0x0, s20;
	[sflag:s22] =	ssyncset.done $0x0  }
0xa1: {  	[sflag:s22] =	ssyncadd.s32 s5;
	_ =	sdelay $0x1  }
0xa2: {  	s23 =	simm.s32 $0x1B8B  }
0xa3: {  	_ =	swait.ge [sflag:s23], $0x1  }
0xa4: {  	[sflag:s23] =	ssyncset.done $0x0  }
0xa5: {  	s25 =	simm.s32 $0x1B8E;
	s24 =	sld [smem:$0x3FFE];
	[sflag:s23] =	ssyncadd.s32 $0xFFFFFFFF  }
0xa6: {  	s26 =	simm.s32 $execute0_lowered;
	[smem:$0x3FD2] =	sst s25  }
0xa7: {  	s6 =	sshll.u32 s26, $0x1;
	_ =	strace $0x80000046;
	[dreg:$0x1] =	wrdreg $0xFFFFFFFF  }
0xa8: {  	s28 =	simm.s32 $_size_execute0_lowered;
	s4 =	sadd.s32 s4, s6;
	[dreg:$0x0] =	wrdreg $0x0  }
0xa9: {  	s6 =	sshll.u32 s28, $0x1;
	[dreg:$0x2] =	wrdreg s4  }
0xaa: {  	[dreg:$0x3] =	wrdreg s6  }
0xab: {  	[dreg:$0x4] =	wrdreg $0xC0  }
0xac: {  	_ =	task [dreg:s8], $0x5FFFF  }
0xad: {  	[dreg:$0x1] =	wrdreg $0xFFFFFFFF  }
0xae: {  	[dreg:$0x0] =	wrdreg $0x60  }
0xaf: {  	[dreg:$0x2] =	wrdreg s2  }
0xb0: {  	[dreg:$0x3] =	wrdreg s24  }
0xb1: {  	[dreg:$0x4] =	wrdreg s18  }
0xb2: {  	[dreg:$0x5] =	wrdreg $0x29000  }
0xb3: {  	[dreg:$0x6] =	wrdreg $0x191800  }
0xb4: {  	[dreg:$0x7] =	wrdreg $0x9  }
0xb5: {  	_ =	task.clear_ibuf [dreg:s8], $0x8FFFF;
	_ =	strace $0x90000046  }
0xb6: {  	s29 =	simm.s32 $0x9;
	_ =	strace $0x80000048  }
0xb7: {  	_ =	swait.ge [sflag:s29], $0x1  }
0xb8: {  	[sflag:s29] =	ssyncadd.s32 $0xFFFFFFFF  }
0xb9: {  	_ =	strace $0x90000048  }
0xba: {  	_ =	sfence  }
0xbb: {  	s30 =	sld [smem:$0x0];
	_ =	sdelay $0x2  }
0xbc: {  	s31 =	sshll.u32 s1, $0xD;
	s1 =	sshrl.u32 s1, $0x2  }
0xbd: {  	s3 =	sand.u32 $0x4000, s31;
	s1 =	sadd.s32 s1, s30  }
0xbe: {  	s0 =	sor.u32 s3, s0;
	s1 =	sshll.u32 s1, $0x11  }
0xbf: {  	s0 =	sor.u32 s1, s0  }
0xc0: {  	s0 =	sadd.s32 $0x8F2B, s0  }
0xc1: {  	[sflag:s0] =	ssyncadd.remote.s32 $0x1  }
0xc2: {  	_ =	sfence.sel $0xFFFF  }
0xc3: {  	[dreg:$0x0] =	wrdreg $0xFFFFFFFF;
	(pc) =	sbr.abs _section_cstart, $3  }
0xc4: {  	[dreg:$0x1] =	wrdreg $0xFFFFFFFF  }
0xc5: {  	_ =	task.clear_ibuf [dreg:s8], $0x2FFFF;
	_ =	strace $0x9FFFFFFF  }
0xc6: {  	(tm) =	ssettm $0x7FFFFFFF  }
0xc7: {  	_ =	shalt  }
tec
execute0_lowered:
.L_overlay_start_1:
0x0: {  	(tag) =	ssettag $0x1  }
0x1: {  	s0 =	rddreg [dreg:$0x0]  }
0x2: {  	s7 =	rddreg [dreg:$0x1]  }
0x3: {  	s11 =	rddreg [dreg:$0x2]  }
0x4: {  	s2 =	rddreg [dreg:$0x3];
	s1 =	srdreg.scid  }
0x5: {  	s4 =	rddreg [dreg:$0x4];
	s3 =	stileid.u32  }
0x6: {  	s5 =	simm.s32 $0x0;
	s19 =	simm.s32 $0x80;
	s20 =	simm.s32 $0x50  }
0x7: {  	s21 =	simm.s32 $0x100;
	s22 =	simm.s32 $0x1;
	s8 =	smul.u32 $0x14000, s3  }
0x8: {  	s9 =	sand.u32 $0x1, s1;
	s1 =	rddreg [dreg:$0x5];
	s14 =	smul.u32 $0x50000, s3  }
0x9: {  	s23 =	simm.s32 $0x19100;
	[smem:$0x7FF] =	sst s5;
	s17 =	smul.u32 $0x4E2, s3  }
0xa: {  	s28 =	sshll.u32 s3, $0x6;
	s16 =	sshll.u32 s3, $0xA;
	s6 =	smul.u32 $0x4E20, s9  }
0xb: {  	s30 =	sshll.u32 s3, $0x7;
	p0 =	sgt.u32 s3, $0x9;
	s10 =	smul.u32 $0x140000, s9  }
0xc: {  	_ =	strace $0x80000047;
	s13 =	ssub.s32 $0x2, s9;
	s29 =	smul.u32 $0x2800, s9  }
0xd: {  	s18 =	sadd.s32 s16, s4;
	s15 =	sshrl.u32 s13, $0x1;
	s24 =	sshrl.u32 s14, $0x2  }
0xe: {  	s26 =	sshrl.u32 s8, $0x3;
	s18 =	sshrl.u32 @!p0 s18, $0x3;
	s12 =	sadd.s32 s6, s7  }
0xf: {  	s10 =	sadd.s32 s8, s10;
	s6 =	sadd.s32 $0x16200, s7;
	s13 =	ssub.s32 s13, s15  }
0x10: {  	s25 =	sadd.s32 s24, s2;
	s8 =	sor.u32 $0x1C02, s28;
	s14 =	sadd.s32 s16, s29  }
0x11: {  	s16 =	simm.s32 $0x2;
	s24 =	simm.s32 $0x0;
	s10 =	sshrl.u32 s10, $0x3  }
0x12: {  	s9 =	sadd.s32 s6, s30;
	s14 =	sshrl.u32 s14, $0x3;
	s31 =	sadd.s32 s17, s12  }
0x13: {  	v0 =	vlaneseq.u32;
	s12 =	smax.u32 s13, $0x1;
	s15 =	sshrl.u32 s25, $0x3;
	s17 =	simm.s32 $0x16900  }
0x14: {  	v5 =	vimm.f32 $1.000000000e+00;
	v1 =	vor.u32 $0x10, v0;
	s10 =	sadd.s32 s10, s7;
	s7 =	sadd.s32 s6, s26;
	s11 =	sadd.s32 s11, s14  }
0x15: {  	v2 =	vor.u32 $0x20, v0;
	v3 =	vor.u32 $0x30, v0;
	v4 =	vor.u32 $0x40, v0;
	s13 =	sadd.s32 $0xC400, s31;
	s14 =	sadd.s32 $0x2600, s31;
	s10 =	sadd.s32 $0x3E200, s10  }
.LBB2_1:
0x16: {  	[spmem:s15], [sflag:s8] =	dma.local [hbm:s7], $0x2800  }
0x17: {  	_ =	swait.ge [sflag:s16], $0x2800  }
0x18: {  	[sflag:s16] =	ssyncset.done $0x0  }
0x19: {  	[sflag:s16] =	ssyncadd.s32 $0xFFFFD800  }
0x1a: {  	[tilespmem:s17], [sflag:$0x2] =	stream.linear.gather [hbm4b:s6+s5], $0x2800, $0x38;
	[tilespmem:$0x19400] =	vst v63  }
0x1b: {  	_ =	swait.ge [sflag:s16], $0x2800  }
0x1c: {  	[sflag:s16] =	ssyncset.done $0x0  }
0x1d: {  	s25 =	simm.s32 @!p0 $0x2;
	[sflag:s16] =	ssyncadd.s32 $0xFFFFD800  }
0x1e: {  	[spmem:s18], [sflag:s8] =	dma.local @!p0 [hbm:s9], $0x80  }
0x1f: {  	_ =	swait.ge @!p0 [sflag:s25], $0x80  }
0x20: {  	[sflag:s25] =	ssyncset.done @!p0 $0x0  }
0x21: {  	[sflag:s25] =	ssyncadd.s32 @!p0 $0xFFFFFF80  }
0x22: {  	[tilespmem:$0x19100] =	vst v0  }
0x23: {  	[tilespmem:$0x19110] =	vst v1  }
0x24: {  	[tilespmem:$0x19120] =	vst v2  }
0x25: {  	[tilespmem:$0x19130] =	vst v3  }
0x26: {  	[tilespmem:$0x19140] =	vst v4  }
0x27: {  	s25 =	simm.s32 $0x0;
	[bflag:$0x0] =	sbarrier.arrive $0xFFFF  }
.LBB2_2:
0x28: {  	s26 =	sadd.s32 s25, s13  }
0x29: {  	[tilespmem:s5], [sflag:$0x2] =	stream.linear.gather [hbm4b:s26+s5], $0x50, $0x38;
	[tilespmem:$0x19400] =	vst v63  }
0x2a: {  	_ =	swait.ge [sflag:s16], $0x50  }
0x2b: {  	[sflag:s16] =	ssyncset.done $0x0  }
0x2c: {  	s31 =	sadd.s32 s25, s14;
	[sflag:s16] =	ssyncadd.s32 $0xFFFFFFB0  }
0x2d: {  	[tilespmem:s19], [sflag:$0x2] =	stream.linear.gather [hbm4b:s31+s5], $0x50, $0x38;
	[tilespmem:$0x19400] =	vst v63  }
0x2e: {  	_ =	swait.ge [sflag:s16], $0x50  }
0x2f: {  	[sflag:s16] =	ssyncset.done $0x0  }
0x30: {  	[sflag:s16] =	ssyncadd.s32 $0xFFFFFFB0  }
0x31: {  	[tilespmem:s21], [sflag:$0x1] =	stream.indirect.gather [hbm4b:s0+s20], $0x80, s5, s20, $0xb8;
	[tilespmem:$0x19400] =	vst v63  }
0x32: {  	_ =	swait.ge [sflag:s22], $0x2800  }
0x33: {  	[sflag:s22] =	ssyncset.done $0x0  }
0x34: {  	[sflag:s22] =	ssyncadd.s32 $0xFFFFD800  }
0x35: {  	[spmem:s2] =	stream.indirect.scatter.add.f32 [tilespmem:s21], [sflag:$0x2], $0x80, s19, s20, $0xb8;
	[tilespmem:$0x19400] =	vst v63  }
0x36: {  	_ =	swait.ge [sflag:s16], $0x2800  }
0x37: {  	[sflag:s16] =	ssyncset.done $0x0  }
0x38: {  	[sflag:s16] =	ssyncadd.s32 $0xFFFFD800  }
0x39: {  	v6 =	vld [tilespmem:$0x80];
	_ =	sdelay $0x7  }
0x3a: {  	[tilespmem:v6+s17+$0x0] =	vst.idx.add.f32.msk $0xffff, v5  }
0x3b: {  	v6 =	vld [tilespmem:$0x90];
	_ =	sdelay $0x7  }
0x3c: {  	[tilespmem:v6+s17+$0x0] =	vst.idx.add.f32.msk $0xffff, v5  }
0x3d: {  	v6 =	vld [tilespmem:$0xA0];
	_ =	sdelay $0x7  }
0x3e: {  	[tilespmem:v6+s17+$0x0] =	vst.idx.add.f32.msk $0xffff, v5  }
0x3f: {  	v6 =	vld [tilespmem:$0xB0];
	_ =	sdelay $0x7  }
0x40: {  	[tilespmem:v6+s17+$0x0] =	vst.idx.add.f32.msk $0xffff, v5  }
0x41: {  	v6 =	vld [tilespmem:$0xC0];
	_ =	sdelay $0x2  }
0x42: {  	p1 =	sne.s32 s25, $0x4D8  }
.Ltmp0:
0x43: {  	_ = 	snop;
	(pc) =	sbr.rel @p1 .LBB2_2-.Ltmp0, $2  }
0x44: {  	_ =	sdelay $0x2  }
0x45: {  	s25 =	sadd.s32 $0xA, s25;
	[tilespmem:v6+s17+$0x0] =	vst.idx.add.f32.msk $0xffff, v5  }
0x46: {  	[bflag:$0x0] =	sbarrier.arrive $0xFFFF  }
0x47: {  	[hbm:s10], [sflag:s8] =	dma.local [spmem:s15], $0x2800  }
0x48: {  	_ =	swait.ge [sflag:s16], $0x2800  }
0x49: {  	[sflag:s16] =	ssyncset.done $0x0  }
0x4a: {  	[sflag:s16] =	ssyncadd.s32 $0xFFFFD800  }
0x4b: {  	[spmem:s4] =	stream.indirect.scatter.add.f32 [tilespmem:s17], [sflag:$0x2], $0x80, s23, s20, $0xb8;
	[tilespmem:$0x19400] =	vst v63  }
0x4c: {  	_ =	swait.ge [sflag:s16], $0x2800  }
0x4d: {  	s24 =	sadd.s32 $0x1, s24;
	[sflag:s16] =	ssyncset.done $0x0  }
0x4e: {  	p1 =	sne.s32 s24, s12;
	[sflag:s16] =	ssyncadd.s32 $0xFFFFD800  }
.Ltmp1:
0x4f: {  	s25 =	simm.s32 @!p0 $0x2;
	[bflag:$0x0] =	sbarrier.arrive $0xFFFF;
	(pc) =	sbr.rel @p1 .LBB2_1-.Ltmp1, $4  }
0x50: {  	[hbm:s11], [sflag:s8] =	dma.local @!p0 [spmem:s18], $0x80  }
0x51: {  	_ =	swait.ge @!p0 [sflag:s25], $0x80  }
0x52: {  	[sflag:s25] =	ssyncset.done @!p0 $0x0  }
0x53: {  	[sflag:s25] =	ssyncadd.s32 @!p0 $0xFFFFFF80  }
0x54: {  	_ =	sfence.sel $0x180000  }
0x55: {  	[bflag:$0x0] =	sbarrier.arrive $0xFFFF  }
0x56: {  	p0 =	sne.s32 s3, $0x0;
	_ =	strace $0x90000047  }
0x57: {  	s0 =	sadd.s32 @!p0 $0x100000, s1;
	[bflag:$0x2] =	sbarrier.arrive $0xFFFF  }
0x58: {  	[sflag:s0] =	ssyncadd.tile.s32 @!p0 $0x1;
	_ =	shalt  }
.Lfunc_end2:
_tile_overlayer_lowered:
.L_overlay_start_2:
0x59: {  	(tag) =	ssettag $0x2  }
0x5a: {  	s0 =	rddreg [dreg:$0x0];
	s2 =	stileid.u32  }
0x5b: {  	s1 =	rddreg [dreg:$0x1];
	p0 =	sne.s32 s2, $0x0  }
0x5c: {  	s3 =	rddreg [dreg:$0x2];
	[bflag:$0x3] =	sbarrier.arrive $0xFFFF;
	s2 =	simm.s32 @!p0 $0x1C02  }
0x5d: {  	[timem:s3], [sflag:s2] =	dma.local @!p0 [hbm:s0], s1  }
0x5e: {  	s0 =	simm.s32 @!p0 $0x2  }
0x5f: {  	_ =	swait.ge @!p0 [sflag:s0], s1  }
0x60: {  	s1 =	ssub.s32 @!p0 $0x0, s1;
	[sflag:s0] =	ssyncset.done @!p0 $0x0  }
0x61: {  	[sflag:s0] =	ssyncadd.s32 @!p0 s1  }
0x62: {  	[bflag:$0x3] =	sbarrier.arrive $0xFFFF  }
0x63: {  	_ =	shalt  }

</sc_bundles>
